<compile_context>
chip_gen: v7x
topology: tpu7x:2x2x1
jax: 0.10.2.dev20260603
libtpu: 0.0.44.dev20260713+nightly
codegen_flags: <defaults>
</compile_context>

<pallas_src>
import functools

import jax
import jax.numpy as jnp
from jax import lax
from jax.experimental import pallas as pl
from jax.experimental.pallas import tpu as pltpu
from jax.experimental.pallas import tpu_sc as plsc

N = 10000
E = 320000
DF = 128
DE = 16
HE = 128
HN = 128

NC = 2
NS = 16
NW = NC * NS
EPW = E // NW
CB = 80
NCH = EPW // CB
CBS = 80
NCHS = EPW // CBS
NP = 10240
RPT = NP // NS

EB = 2560
NB = 2000

_LOG2E = 1.4426950408889634
_LN2 = 0.6931471805599453


def _softplus(x):
    p = jnp.exp2(jnp.abs(x) * -_LOG2E)
    return jnp.maximum(x, 0.0) + jnp.log2(1.0 + p) * _LN2



def _precomp_body(x_ref, wa_ref, wb_ref, p1_ref, p2_ref):
    xb = x_ref[...]
    p1_ref[...] = jnp.dot(xb, wa_ref[...], preferred_element_type=jnp.float32)
    p2_ref[...] = jnp.dot(xb, wb_ref[...], preferred_element_type=jnp.float32)


def _edge_mlp_body(g1_ref, g2_ref, ea_ref, w1c_ref, b1_ref, w2_ref, b2_ref,
                   w3_ref, b3_ref, he_ref):
    h = (g1_ref[...] + g2_ref[...]
         + jnp.dot(ea_ref[...], w1c_ref[...], preferred_element_type=jnp.float32)
         + b1_ref[...])
    h = _softplus(h)
    h = _softplus(jnp.dot(h, w2_ref[...], preferred_element_type=jnp.float32)
                  + b2_ref[...])
    he_ref[...] = (jnp.dot(h, w3_ref[...], preferred_element_type=jnp.float32)
                   + b3_ref[...])


def _node_mlp_body(x_ref, agg_ref, wna_ref, wnb_ref, b1_ref, w2_ref, b2_ref,
                   w3_ref, b3_ref, hn_ref):
    a = agg_ref[0] + agg_ref[1]
    g = (jnp.dot(x_ref[...], wna_ref[...], preferred_element_type=jnp.float32)
         + jnp.dot(a, wnb_ref[...], preferred_element_type=jnp.float32)
         + b1_ref[...])
    g = _softplus(g)
    g = _softplus(jnp.dot(g, w2_ref[...], preferred_element_type=jnp.float32)
                  + b2_ref[...])
    hn_ref[...] = (jnp.dot(g, w3_ref[...], preferred_element_type=jnp.float32)
                   + b3_ref[...])



def _gather_body(p1, p2, srcr, dstr, g1, g2,
                 idx_s, idx_d, b1a, b1b, b2a, b2b,
                 g1a, g1b, g2a, g2b, w1a, w1b, w2a, w2b):
    cid = lax.axis_index("c")
    sid = lax.axis_index("s")
    wid = sid * NC + cid
    base = wid * EPW
    pltpu.sync_copy(srcr.at[wid], idx_s)
    pltpu.sync_copy(dstr.at[wid], idx_d)
    bufs1 = (b1a, b1b)
    bufs2 = (b2a, b2b)
    gsem1 = (g1a, g1b)
    gsem2 = (g2a, g2b)
    wsem1 = (w1a, w1b)
    wsem2 = (w2a, w2b)
    for b in range(2):
        pltpu.async_copy(p1.at[idx_s.at[b]], bufs1[b], gsem1[b])
        pltpu.async_copy(p2.at[idx_d.at[b]], bufs2[b], gsem2[b])

    def step(t, carry):
        j0 = 2 * t
        for b in range(2):
            j = j0 + b
            pltpu.make_async_copy(p1.at[idx_s.at[j]], bufs1[b], gsem1[b]).wait()
            pltpu.async_copy(bufs1[b], g1.at[pl.ds(base + j * CB, CB)], wsem1[b])
            pltpu.make_async_copy(p2.at[idx_d.at[j]], bufs2[b], gsem2[b]).wait()
            pltpu.async_copy(bufs2[b], g2.at[pl.ds(base + j * CB, CB)], wsem2[b])

            @pl.when(j + 2 < NCH)
            def _():
                pltpu.make_async_copy(bufs1[b], g1.at[pl.ds(base + j * CB, CB)],
                                      wsem1[b]).wait()
                pltpu.async_copy(p1.at[idx_s.at[j + 2]], bufs1[b], gsem1[b])
                pltpu.make_async_copy(bufs2[b], g2.at[pl.ds(base + j * CB, CB)],
                                      wsem2[b]).wait()
                pltpu.async_copy(p2.at[idx_d.at[j + 2]], bufs2[b], gsem2[b])
        return carry

    lax.fori_loop(0, (NCH - 1) // 2, step, 0)
    j = NCH - 2
    pltpu.make_async_copy(b1b, g1.at[pl.ds(base + j * CB, CB)], wsem1[1]).wait()
    pltpu.make_async_copy(b2b, g2.at[pl.ds(base + j * CB, CB)], wsem2[1]).wait()
    j = NCH - 1
    pltpu.make_async_copy(p1.at[idx_s.at[j]], b1a, gsem1[0]).wait()
    pltpu.sync_copy(b1a, g1.at[pl.ds(base + j * CB, CB)])
    pltpu.make_async_copy(p2.at[idx_d.at[j]], b2a, gsem2[0]).wait()
    pltpu.sync_copy(b2a, g2.at[pl.ds(base + j * CB, CB)])


def _scatter_body(he, dstr, zz, aggp, idx_d, ba, bb, la, lb, xa, xb, acc):
    cid = lax.axis_index("c")
    sid = lax.axis_index("s")
    wid = sid * NC + cid
    base = wid * EPW
    pltpu.sync_copy(dstr.at[wid], idx_d)
    pltpu.sync_copy(zz.at[pl.ds(sid * RPT, RPT)], acc.at[pl.ds(sid * RPT, RPT)])
    plsc.subcore_barrier()
    bufs = (ba, bb)
    lsem = (la, lb)
    xsem = (xa, xb)
    for b in range(2):
        pltpu.async_copy(he.at[pl.ds(base + b * CBS, CBS)], bufs[b], lsem[b])

    def step(t, carry):
        j0 = 2 * t
        for b in range(2):
            j = j0 + b
            pltpu.make_async_copy(he.at[pl.ds(base + j * CBS, CBS)],
                                  bufs[b], lsem[b]).wait()
            pltpu.async_copy(bufs[b], acc.at[idx_d.at[j]], xsem[b], add=True)

            @pl.when(j + 2 < NCHS)
            def _():
                pltpu.make_async_copy(bufs[b], acc.at[idx_d.at[j]],
                                      xsem[b]).wait()
                pltpu.async_copy(he.at[pl.ds(base + (j + 2) * CBS, CBS)],
                                 bufs[b], lsem[b])
        return carry

    lax.fori_loop(0, (NCHS - 1) // 2, step, 0)
    pltpu.make_async_copy(bb, acc.at[idx_d.at[NCHS - 2]], xsem[1]).wait()
    j = NCHS - 1
    pltpu.make_async_copy(he.at[pl.ds(base + j * CBS, CBS)], ba, lsem[0]).wait()
    pltpu.sync_copy(ba, acc.at[idx_d.at[j]], add=True)
    plsc.subcore_barrier()
    pltpu.sync_copy(acc.at[pl.ds(sid * RPT, RPT)],
                    aggp.at[cid, pl.ds(sid * RPT, RPT)])


_SC_MESH = plsc.VectorSubcoreMesh(core_axis_name="c", subcore_axis_name="s")

_gather_call = functools.partial(
    pl.kernel,
    mesh=_SC_MESH,
    out_type=(jax.ShapeDtypeStruct((E, HE), jnp.float32),
              jax.ShapeDtypeStruct((E, HE), jnp.float32)),
    scratch_types=[
        pltpu.VMEM((NCH, CB), jnp.int32),
        pltpu.VMEM((NCH, CB), jnp.int32),
        pltpu.VMEM((CB, HE), jnp.float32),
        pltpu.VMEM((CB, HE), jnp.float32),
        pltpu.VMEM((CB, HE), jnp.float32),
        pltpu.VMEM((CB, HE), jnp.float32),
        pltpu.SemaphoreType.DMA,
        pltpu.SemaphoreType.DMA,
        pltpu.SemaphoreType.DMA,
        pltpu.SemaphoreType.DMA,
        pltpu.SemaphoreType.DMA,
        pltpu.SemaphoreType.DMA,
        pltpu.SemaphoreType.DMA,
        pltpu.SemaphoreType.DMA,
    ],
)(_gather_body)

_scatter_call = functools.partial(
    pl.kernel,
    mesh=_SC_MESH,
    out_type=jax.ShapeDtypeStruct((NC, NP, HE), jnp.float32),
    scratch_types=[
        pltpu.VMEM((NCHS, CBS), jnp.int32),
        pltpu.VMEM((CBS, HE), jnp.float32),
        pltpu.VMEM((CBS, HE), jnp.float32),
        pltpu.SemaphoreType.DMA,
        pltpu.SemaphoreType.DMA,
        pltpu.SemaphoreType.DMA,
        pltpu.SemaphoreType.DMA,
        pltpu.VMEM_SHARED((NP, HE), jnp.float32),
    ],
)(_scatter_body)


def kernel(edge_index, x, edge_attr, We1, be1, We2, be2, We3, be3,
           Wn1, bn1, Wn2, bn2, Wn3, bn3):
    We1a = We1[:DF]
    We1b = We1[DF:2 * DF]
    We1c = We1[2 * DF:]
    Wn1a = Wn1[:DF]
    Wn1b = Wn1[DF:]
    srcr = edge_index[0].reshape(NW, NCH, CB)
    dstr = edge_index[1].reshape(NW, NCH, CB)
    zeros = jnp.zeros((NP, HE), jnp.float32)
    be1r = be1.reshape(1, HE)
    be2r = be2.reshape(1, HE)
    be3r = be3.reshape(1, HE)
    bn1r = bn1.reshape(1, HN)
    bn2r = bn2.reshape(1, HN)
    bn3r = bn3.reshape(1, HN)

    p1, p2 = pl.pallas_call(
        _precomp_body,
        grid=(N // NB,),
        in_specs=[
            pl.BlockSpec((NB, DF), lambda i: (i, 0)),
            pl.BlockSpec((DF, HE), lambda i: (0, 0)),
            pl.BlockSpec((DF, HE), lambda i: (0, 0)),
        ],
        out_specs=[
            pl.BlockSpec((NB, HE), lambda i: (i, 0)),
            pl.BlockSpec((NB, HE), lambda i: (i, 0)),
        ],
        out_shape=[
            jax.ShapeDtypeStruct((N, HE), jnp.float32),
            jax.ShapeDtypeStruct((N, HE), jnp.float32),
        ],
    )(x, We1a, We1b)

    g1, g2 = _gather_call(p1, p2, srcr, dstr)

    h_e = pl.pallas_call(
        _edge_mlp_body,
        grid=(E // EB,),
        in_specs=[
            pl.BlockSpec((EB, HE), lambda i: (i, 0)),
            pl.BlockSpec((EB, HE), lambda i: (i, 0)),
            pl.BlockSpec((EB, DE), lambda i: (i, 0)),
            pl.BlockSpec((DE, HE), lambda i: (0, 0)),
            pl.BlockSpec((1, HE), lambda i: (0, 0)),
            pl.BlockSpec((HE, HE), lambda i: (0, 0)),
            pl.BlockSpec((1, HE), lambda i: (0, 0)),
            pl.BlockSpec((HE, HE), lambda i: (0, 0)),
            pl.BlockSpec((1, HE), lambda i: (0, 0)),
        ],
        out_specs=pl.BlockSpec((EB, HE), lambda i: (i, 0)),
        out_shape=jax.ShapeDtypeStruct((E, HE), jnp.float32),
    )(g1, g2, edge_attr, We1c, be1r, We2, be2r, We3, be3r)

    aggp = _scatter_call(h_e, dstr, zeros)

    h_n = pl.pallas_call(
        _node_mlp_body,
        grid=(N // NB,),
        in_specs=[
            pl.BlockSpec((NB, DF), lambda i: (i, 0)),
            pl.BlockSpec((NC, NB, HE), lambda i: (0, i, 0)),
            pl.BlockSpec((DF, HN), lambda i: (0, 0)),
            pl.BlockSpec((HE, HN), lambda i: (0, 0)),
            pl.BlockSpec((1, HN), lambda i: (0, 0)),
            pl.BlockSpec((HN, HN), lambda i: (0, 0)),
            pl.BlockSpec((1, HN), lambda i: (0, 0)),
            pl.BlockSpec((HN, HN), lambda i: (0, 0)),
            pl.BlockSpec((1, HN), lambda i: (0, 0)),
        ],
        out_specs=pl.BlockSpec((NB, HN), lambda i: (i, 0)),
        out_shape=jax.ShapeDtypeStruct((N, HN), jnp.float32),
    )(x, aggp, Wn1a, Wn1b, bn1r, Wn2, bn2r, Wn3, bn3r)

    return (h_e, h_n)

# --- scband reference (transcript-rebuilt; emitter-appended) ---
"""Pipeline reference for scband-megnet-block-66881230733441 (READ-ONLY COPY).

The authoritative reference and input builder live on the scoring server;
editing this copy changes nothing except your own understanding.
"""

import jax, jax.numpy as jnp
import numpy as np

N = 10000
E = 320000
DF = 128
DE = 16
HE = 128
HN = 128


def _lin_params(k, fin, fout):
    kw, kb = jax.random.split(k)
    W = jax.random.normal(kw, (fin, fout), dtype=jnp.float32) / np.sqrt(fin)
    b = jax.random.normal(kb, (fout,), dtype=jnp.float32) * 0.01
    return W, b


def setup_inputs(seed: int = 0):
    key = jax.random.key(seed)
    ks = jax.random.split(key, 9)
    x = jax.random.normal(ks[0], (N, DF), dtype=jnp.float32)
    edge_index = jax.random.randint(ks[1], (2, E), 0, N, dtype=jnp.int32)
    edge_attr = jax.random.normal(ks[2], (E, DE), dtype=jnp.float32)
    We1, be1 = _lin_params(ks[3], 2 * DF + DE, HE)
    We2, be2 = _lin_params(ks[4], HE, HE)
    We3, be3 = _lin_params(ks[5], HE, HE)
    Wn1, bn1 = _lin_params(ks[6], DF + HE, HN)
    Wn2, bn2 = _lin_params(ks[7], HN, HN)
    Wn3, bn3 = _lin_params(ks[8], HN, HN)
    return {
        "edge_index": edge_index,
        "x": x,
        "edge_attr": edge_attr,
        "We1": We1, "be1": be1,
        "We2": We2, "be2": be2,
        "We3": We3, "be3": be3,
        "Wn1": Wn1, "bn1": bn1,
        "Wn2": Wn2, "bn2": bn2,
        "Wn3": Wn3, "bn3": bn3,
    }


def reference(edge_index, x, edge_attr, We1, be1, We2, be2, We3, be3, Wn1, bn1, Wn2, bn2, Wn3, bn3):
    src = edge_index[0]
    dst = edge_index[1]
    # edge update: three-layer MLP with Softplus on [x_src, x_dst, e]
    h = jnp.concatenate([jnp.take(x, src, axis=0), jnp.take(x, dst, axis=0), edge_attr], axis=1)
    h = jax.nn.softplus(h @ We1 + be1)
    h = jax.nn.softplus(h @ We2 + be2)
    h_e = h @ We3 + be3
    # node update: scatter-add edge features by dst node, concat with x, three-layer MLP
    agg = jax.ops.segment_sum(h_e, dst, num_segments=N)
    g = jnp.concatenate([x, agg], axis=1)
    g = jax.nn.softplus(g @ Wn1 + bn1)
    g = jax.nn.softplus(g @ Wn2 + bn2)
    h_n = g @ Wn3 + bn3
    return (h_e, h_n)

if __name__ == "__main__":
    import jax
    _d = setup_inputs()
    print(jax.jit(kernel)(*tuple(_d.values())))

</pallas_src>

<mosaic_0001>
#map = affine_map<(d0, d1) -> (0, 0)>
#map1 = affine_map<(d0, d1) -> (0, 0, 0)>
module attributes {stable_mosaic.version = 14 : i64} {
  func.func @_scatter_body(%arg0: i32, %arg1: i32, %arg2: memref<320000x128xf32, #tpu.memory_space<hbm>>, %arg3: memref<32x125x80xi32, #tpu.memory_space<hbm>>, %arg4: memref<10240x128xf32, #tpu.memory_space<hbm>>, %arg5: memref<2x10240x128xf32, #tpu.memory_space<hbm>>, %arg6: memref<125x80xi32, #tpu.memory_space<vmem>>, %arg7: memref<80x128xf32, #tpu.memory_space<vmem>>, %arg8: memref<80x128xf32, #tpu.memory_space<vmem>>, %arg9: memref<!tpu.dma_semaphore, #tpu.memory_space<semaphore_mem>>, %arg10: memref<!tpu.dma_semaphore, #tpu.memory_space<semaphore_mem>>, %arg11: memref<!tpu.dma_semaphore, #tpu.memory_space<semaphore_mem>>, %arg12: memref<!tpu.dma_semaphore, #tpu.memory_space<semaphore_mem>>, %arg13: memref<10240x128xf32, #tpu.memory_space<vmem_shared>>) attributes {dimension_semantics = [#tpu.dimension_semantics<core_parallel>, #tpu.dimension_semantics<subcore_parallel>], iteration_bounds = array<i64: 2, 16>, scalar_prefetch = 0 : i64, scratch_operands = 8 : i64, tpu.core_type = #tpu.core_type<sc_vector_subcore>, window_params = [{transform_indices = #map}, {transform_indices = #map1}, {transform_indices = #map}, {transform_indices = #map1}]} {
    %mul3A = arith.constant 2 : i32
    %mul3A_0 = arith.muli %arg1, %mul3A : i32
    %add3A = arith.addi %mul3A_0, %arg0 : i32
    %mul3A_1 = arith.constant 10000 : i32
    %mul3A_2 = arith.muli %add3A, %mul3A_1 : i32
    "tpu.region"() ({
      %run_scoped3A_40 = tpu.sem_alloc : memref<!tpu.dma_semaphore, #tpu.memory_space<semaphore_mem>>
      %dma_start3A_41 = arith.constant 0 : i32
      %dma_start3A_42 = arith.constant 0 : i32
      %dma_start3A_43 = tpu.memref_slice %arg3[%add3A, %dma_start3A_41, %dma_start3A_42] : memref<32x125x80xi32, #tpu.memory_space<hbm>> -> memref<1x125x80xi32, #tpu.memory_space<hbm>>
      %dma_start3A_44 = tpu.memref_squeeze %dma_start3A_43 : memref<1x125x80xi32, #tpu.memory_space<hbm>> -> memref<125x80xi32, #tpu.memory_space<hbm>>
      %dma_start3A_45 = arith.constant 0 : i32
      %dma_start3A_46 = arith.constant 0 : i32
      %dma_start3A_47 = tpu.memref_slice %arg3[%add3A, %dma_start3A_45, %dma_start3A_46] : memref<32x125x80xi32, #tpu.memory_space<hbm>> -> memref<1x125x80xi32, #tpu.memory_space<hbm>>
      %dma_start3A_48 = tpu.memref_squeeze %dma_start3A_47 : memref<1x125x80xi32, #tpu.memory_space<hbm>> -> memref<125x80xi32, #tpu.memory_space<hbm>>
      tpu.enqueue_dma source(%dma_start3A_48 : memref<125x80xi32, #tpu.memory_space<hbm>>) target(%arg6 : memref<125x80xi32, #tpu.memory_space<vmem>>) target_semaphore(%run_scoped3A_40 : memref<!tpu.dma_semaphore, #tpu.memory_space<semaphore_mem>>)
      %dma_wait3A_49 = arith.constant 0 : i32
      %dma_wait3A_50 = arith.constant 0 : i32
      %dma_wait3A_51 = tpu.memref_slice %arg3[%add3A, %dma_wait3A_49, %dma_wait3A_50] : memref<32x125x80xi32, #tpu.memory_space<hbm>> -> memref<1x125x80xi32, #tpu.memory_space<hbm>>
      %dma_wait3A_52 = tpu.memref_squeeze %dma_wait3A_51 : memref<1x125x80xi32, #tpu.memory_space<hbm>> -> memref<125x80xi32, #tpu.memory_space<hbm>>
      %dma_wait3A_53 = arith.constant 0 : i32
      %dma_wait3A_54 = arith.constant 0 : i32
      %dma_wait3A_55 = tpu.memref_slice %arg3[%add3A, %dma_wait3A_53, %dma_wait3A_54] : memref<32x125x80xi32, #tpu.memory_space<hbm>> -> memref<1x125x80xi32, #tpu.memory_space<hbm>>
      %dma_wait3A_56 = tpu.memref_squeeze %dma_wait3A_55 : memref<1x125x80xi32, #tpu.memory_space<hbm>> -> memref<125x80xi32, #tpu.memory_space<hbm>>
      tpu.wait_dma2 semaphore(%run_scoped3A_40 : memref<!tpu.dma_semaphore, #tpu.memory_space<semaphore_mem>>) src(%dma_wait3A_56 : memref<125x80xi32, #tpu.memory_space<hbm>>) dst(%arg6 : memref<125x80xi32, #tpu.memory_space<vmem>>)
      tpu.yield
    }) : () -> ()
    %mul3A_3 = arith.constant 640 : i32
    %mul3A_4 = arith.muli %arg1, %mul3A_3 : i32
    %mul3A_5 = arith.constant 640 : i32
    %mul3A_6 = arith.muli %arg1, %mul3A_5 : i32
    "tpu.region"() ({
      %run_scoped3A_40 = tpu.sem_alloc : memref<!tpu.dma_semaphore, #tpu.memory_space<semaphore_mem>>
      %dma_start3A_41 = arith.constant 0 : i32
      %dma_start3A_42 = tpu.memref_slice %arg13[%mul3A_6, %dma_start3A_41] : memref<10240x128xf32, #tpu.memory_space<vmem_shared>> -> memref<640x128xf32, #tpu.memory_space<vmem_shared>>
      %dma_start3A_43 = arith.constant 0 : i32
      %dma_start3A_44 = tpu.memref_slice %arg4[%mul3A_4, %dma_start3A_43] : memref<10240x128xf32, #tpu.memory_space<hbm>> -> memref<640x128xf32, #tpu.memory_space<hbm>>
      tpu.enqueue_dma source(%dma_start3A_44 : memref<640x128xf32, #tpu.memory_space<hbm>>) target(%dma_start3A_42 : memref<640x128xf32, #tpu.memory_space<vmem_shared>>) target_semaphore(%run_scoped3A_40 : memref<!tpu.dma_semaphore, #tpu.memory_space<semaphore_mem>>)
      %dma_wait3A_45 = arith.constant 0 : i32
      %dma_wait3A_46 = tpu.memref_slice %arg13[%mul3A_6, %dma_wait3A_45] : memref<10240x128xf32, #tpu.memory_space<vmem_shared>> -> memref<640x128xf32, #tpu.memory_space<vmem_shared>>
      %dma_wait3A_47 = arith.constant 0 : i32
      %dma_wait3A_48 = tpu.memref_slice %arg4[%mul3A_4, %dma_wait3A_47] : memref<10240x128xf32, #tpu.memory_space<hbm>> -> memref<640x128xf32, #tpu.memory_space<hbm>>
      tpu.wait_dma2 semaphore(%run_scoped3A_40 : memref<!tpu.dma_semaphore, #tpu.memory_space<semaphore_mem>>) src(%dma_wait3A_48 : memref<640x128xf32, #tpu.memory_space<hbm>>) dst(%dma_wait3A_46 : memref<640x128xf32, #tpu.memory_space<vmem_shared>>)
      tpu.yield
    }) : () -> ()
    %barrier3A = arith.constant 0 : index
    tpu.barrier barrier_id(%barrier3A)
    %add3A_7 = arith.constant 0 : i32
    %add3A_8 = arith.addi %mul3A_2, %add3A_7 : i32
    %dma_start3A = arith.constant 0 : i32
    %dma_start3A_9 = tpu.memref_slice %arg2[%add3A_8, %dma_start3A] : memref<320000x128xf32, #tpu.memory_space<hbm>> -> memref<80x128xf32, #tpu.memory_space<hbm>>
    %dma_start3A_10 = arith.constant 0 : i32
    %dma_start3A_11 = tpu.memref_slice %arg2[%add3A_8, %dma_start3A_10] : memref<320000x128xf32, #tpu.memory_space<hbm>> -> memref<80x128xf32, #tpu.memory_space<hbm>>
    tpu.enqueue_dma source(%dma_start3A_11 : memref<80x128xf32, #tpu.memory_space<hbm>>) target(%arg7 : memref<80x128xf32, #tpu.memory_space<vmem>>) target_semaphore(%arg9 : memref<!tpu.dma_semaphore, #tpu.memory_space<semaphore_mem>>)
    %add3A_12 = arith.constant 80 : i32
    %add3A_13 = arith.addi %mul3A_2, %add3A_12 : i32
    %dma_start3A_14 = arith.constant 0 : i32
    %dma_start3A_15 = tpu.memref_slice %arg2[%add3A_13, %dma_start3A_14] : memref<320000x128xf32, #tpu.memory_space<hbm>> -> memref<80x128xf32, #tpu.memory_space<hbm>>
    %dma_start3A_16 = arith.constant 0 : i32
    %dma_start3A_17 = tpu.memref_slice %arg2[%add3A_13, %dma_start3A_16] : memref<320000x128xf32, #tpu.memory_space<hbm>> -> memref<80x128xf32, #tpu.memory_space<hbm>>
    tpu.enqueue_dma source(%dma_start3A_17 : memref<80x128xf32, #tpu.memory_space<hbm>>) target(%arg8 : memref<80x128xf32, #tpu.memory_space<vmem>>) target_semaphore(%arg10 : memref<!tpu.dma_semaphore, #tpu.memory_space<semaphore_mem>>)
    %scan3A = arith.constant 0 : i32
    %scan3A_18 = arith.constant 0 : i32
    %scan3A_19 = arith.constant 62 : i32
    %scan3A_20 = arith.addi %scan3A_18, %scan3A_19 : i32
    %scan3A_21 = arith.constant 1 : i32
    scf.for %scan3A_40 = %scan3A_18 to %scan3A_20 step %scan3A_21  : i32 {
      %mul3A_41 = arith.constant 2 : i32
      %mul3A_42 = arith.muli %mul3A_41, %scan3A_40 : i32
      %add3A_43 = arith.constant 0 : i32
      %add3A_44 = arith.addi %mul3A_42, %add3A_43 : i32
      %mul3A_45 = arith.constant 80 : i32
      %mul3A_46 = arith.muli %add3A_44, %mul3A_45 : i32
      %add3A_47 = arith.addi %mul3A_2, %mul3A_46 : i32
      %dma_wait3A_48 = arith.constant 0 : i32
      %dma_wait3A_49 = tpu.memref_slice %arg2[%add3A_47, %dma_wait3A_48] : memref<320000x128xf32, #tpu.memory_space<hbm>> -> memref<80x128xf32, #tpu.memory_space<hbm>>
      %dma_wait3A_50 = arith.constant 0 : i32
      %dma_wait3A_51 = tpu.memref_slice %arg2[%add3A_47, %dma_wait3A_50] : memref<320000x128xf32, #tpu.memory_space<hbm>> -> memref<80x128xf32, #tpu.memory_space<hbm>>
      tpu.wait_dma2 semaphore(%arg9 : memref<!tpu.dma_semaphore, #tpu.memory_space<semaphore_mem>>) src(%dma_wait3A_51 : memref<80x128xf32, #tpu.memory_space<hbm>>) dst(%arg7 : memref<80x128xf32, #tpu.memory_space<vmem>>)
      %dma_start3A_52 = arith.constant 0 : i32
      %dma_start3A_53 = tpu.memref_slice %arg6[%add3A_44, %dma_start3A_52] : memref<125x80xi32, #tpu.memory_space<vmem>> -> memref<1x80xi32, #tpu.memory_space<vmem>>
      %dma_start3A_54 = tpu.memref_squeeze %dma_start3A_53 : memref<1x80xi32, #tpu.memory_space<vmem>> -> memref<80xi32, #tpu.memory_space<vmem>>
      %dma_start3A_55 = arith.constant 0 : i32
      %dma_start3A_56 = arith.constant 0 : i32
      %dma_start3A_57 = tpu.memref_slice %arg13[%dma_start3A_55, %dma_start3A_56] : memref<10240x128xf32, #tpu.memory_space<vmem_shared>> -> memref<10240x128xf32, #tpu.memory_space<vmem_shared>>
      tpu.enqueue_indirect_dma source(%arg7 : memref<80x128xf32, #tpu.memory_space<vmem>>) target(%dma_start3A_57 : memref<10240x128xf32, #tpu.memory_space<vmem_shared>>) offsets(%dma_start3A_54 : memref<80xi32, #tpu.memory_space<vmem>>) semaphore(%arg11 : memref<!tpu.dma_semaphore, #tpu.memory_space<semaphore_mem>>) {add = true}
      %add3A_58 = arith.constant 2 : i32
      %add3A_59 = arith.addi %add3A_44, %add3A_58 : i32
      %lt3A = arith.constant 125 : i32
      %lt3A_60 = arith.cmpi slt, %add3A_59, %lt3A : i32
      %convert_element_type3A = arith.extui %lt3A_60 : i1 to i32
      %cond3A = arith.constant 0 : i32
      %cond3A_61 = arith.cmpi ne, %convert_element_type3A, %cond3A : i32
      scf.if %cond3A_61 {
        %dma_wait3A_84 = arith.constant 0 : i32
        %dma_wait3A_85 = tpu.memref_slice %arg6[%add3A_44, %dma_wait3A_84] : memref<125x80xi32, #tpu.memory_space<vmem>> -> memref<1x80xi32, #tpu.memory_space<vmem>>
        %dma_wait3A_86 = tpu.memref_squeeze %dma_wait3A_85 : memref<1x80xi32, #tpu.memory_space<vmem>> -> memref<80xi32, #tpu.memory_space<vmem>>
        %dma_wait3A_87 = arith.constant 0 : i32
        %dma_wait3A_88 = arith.constant 0 : i32
        %dma_wait3A_89 = tpu.memref_slice %arg13[%dma_wait3A_87, %dma_wait3A_88] : memref<10240x128xf32, #tpu.memory_space<vmem_shared>> -> memref<10240x128xf32, #tpu.memory_space<vmem_shared>>
        tpu.wait_indirect_dma semaphore(%arg11 : memref<!tpu.dma_semaphore, #tpu.memory_space<semaphore_mem>>) src(%arg7 : memref<80x128xf32, #tpu.memory_space<vmem>>) dst(%dma_wait3A_89 : memref<10240x128xf32, #tpu.memory_space<vmem_shared>>)
        %add3A_90 = arith.constant 2 : i32
        %add3A_91 = arith.addi %add3A_44, %add3A_90 : i32
        %mul3A_92 = arith.constant 80 : i32
        %mul3A_93 = arith.muli %add3A_91, %mul3A_92 : i32
        %add3A_94 = arith.addi %mul3A_2, %mul3A_93 : i32
        %dma_start3A_95 = arith.constant 0 : i32
        %dma_start3A_96 = tpu.memref_slice %arg2[%add3A_94, %dma_start3A_95] : memref<320000x128xf32, #tpu.memory_space<hbm>> -> memref<80x128xf32, #tpu.memory_space<hbm>>
        %dma_start3A_97 = arith.constant 0 : i32
        %dma_start3A_98 = tpu.memref_slice %arg2[%add3A_94, %dma_start3A_97] : memref<320000x128xf32, #tpu.memory_space<hbm>> -> memref<80x128xf32, #tpu.memory_space<hbm>>
        tpu.enqueue_dma source(%dma_start3A_98 : memref<80x128xf32, #tpu.memory_space<hbm>>) target(%arg7 : memref<80x128xf32, #tpu.memory_space<vmem>>) target_semaphore(%arg9 : memref<!tpu.dma_semaphore, #tpu.memory_space<semaphore_mem>>)
      } else {
      }
      %add3A_62 = arith.constant 1 : i32
      %add3A_63 = arith.addi %mul3A_42, %add3A_62 : i32
      %mul3A_64 = arith.constant 80 : i32
      %mul3A_65 = arith.muli %add3A_63, %mul3A_64 : i32
      %add3A_66 = arith.addi %mul3A_2, %mul3A_65 : i32
      %dma_wait3A_67 = arith.constant 0 : i32
      %dma_wait3A_68 = tpu.memref_slice %arg2[%add3A_66, %dma_wait3A_67] : memref<320000x128xf32, #tpu.memory_space<hbm>> -> memref<80x128xf32, #tpu.memory_space<hbm>>
      %dma_wait3A_69 = arith.constant 0 : i32
      %dma_wait3A_70 = tpu.memref_slice %arg2[%add3A_66, %dma_wait3A_69] : memref<320000x128xf32, #tpu.memory_space<hbm>> -> memref<80x128xf32, #tpu.memory_space<hbm>>
      tpu.wait_dma2 semaphore(%arg10 : memref<!tpu.dma_semaphore, #tpu.memory_space<semaphore_mem>>) src(%dma_wait3A_70 : memref<80x128xf32, #tpu.memory_space<hbm>>) dst(%arg8 : memref<80x128xf32, #tpu.memory_space<vmem>>)
      %dma_start3A_71 = arith.constant 0 : i32
      %dma_start3A_72 = tpu.memref_slice %arg6[%add3A_63, %dma_start3A_71] : memref<125x80xi32, #tpu.memory_space<vmem>> -> memref<1x80xi32, #tpu.memory_space<vmem>>
      %dma_start3A_73 = tpu.memref_squeeze %dma_start3A_72 : memref<1x80xi32, #tpu.memory_space<vmem>> -> memref<80xi32, #tpu.memory_space<vmem>>
      %dma_start3A_74 = arith.constant 0 : i32
      %dma_start3A_75 = arith.constant 0 : i32
      %dma_start3A_76 = tpu.memref_slice %arg13[%dma_start3A_74, %dma_start3A_75] : memref<10240x128xf32, #tpu.memory_space<vmem_shared>> -> memref<10240x128xf32, #tpu.memory_space<vmem_shared>>
      tpu.enqueue_indirect_dma source(%arg8 : memref<80x128xf32, #tpu.memory_space<vmem>>) target(%dma_start3A_76 : memref<10240x128xf32, #tpu.memory_space<vmem_shared>>) offsets(%dma_start3A_73 : memref<80xi32, #tpu.memory_space<vmem>>) semaphore(%arg12 : memref<!tpu.dma_semaphore, #tpu.memory_space<semaphore_mem>>) {add = true}
      %add3A_77 = arith.constant 2 : i32
      %add3A_78 = arith.addi %add3A_63, %add3A_77 : i32
      %lt3A_79 = arith.constant 125 : i32
      %lt3A_80 = arith.cmpi slt, %add3A_78, %lt3A_79 : i32
      %convert_element_type3A_81 = arith.extui %lt3A_80 : i1 to i32
      %cond3A_82 = arith.constant 0 : i32
      %cond3A_83 = arith.cmpi ne, %convert_element_type3A_81, %cond3A_82 : i32
      scf.if %cond3A_83 {
        %dma_wait3A_84 = arith.constant 0 : i32
        %dma_wait3A_85 = tpu.memref_slice %arg6[%add3A_63, %dma_wait3A_84] : memref<125x80xi32, #tpu.memory_space<vmem>> -> memref<1x80xi32, #tpu.memory_space<vmem>>
        %dma_wait3A_86 = tpu.memref_squeeze %dma_wait3A_85 : memref<1x80xi32, #tpu.memory_space<vmem>> -> memref<80xi32, #tpu.memory_space<vmem>>
        %dma_wait3A_87 = arith.constant 0 : i32
        %dma_wait3A_88 = arith.constant 0 : i32
        %dma_wait3A_89 = tpu.memref_slice %arg13[%dma_wait3A_87, %dma_wait3A_88] : memref<10240x128xf32, #tpu.memory_space<vmem_shared>> -> memref<10240x128xf32, #tpu.memory_space<vmem_shared>>
        tpu.wait_indirect_dma semaphore(%arg12 : memref<!tpu.dma_semaphore, #tpu.memory_space<semaphore_mem>>) src(%arg8 : memref<80x128xf32, #tpu.memory_space<vmem>>) dst(%dma_wait3A_89 : memref<10240x128xf32, #tpu.memory_space<vmem_shared>>)
        %add3A_90 = arith.constant 2 : i32
        %add3A_91 = arith.addi %add3A_63, %add3A_90 : i32
        %mul3A_92 = arith.constant 80 : i32
        %mul3A_93 = arith.muli %add3A_91, %mul3A_92 : i32
        %add3A_94 = arith.addi %mul3A_2, %mul3A_93 : i32
        %dma_start3A_95 = arith.constant 0 : i32
        %dma_start3A_96 = tpu.memref_slice %arg2[%add3A_94, %dma_start3A_95] : memref<320000x128xf32, #tpu.memory_space<hbm>> -> memref<80x128xf32, #tpu.memory_space<hbm>>
        %dma_start3A_97 = arith.constant 0 : i32
        %dma_start3A_98 = tpu.memref_slice %arg2[%add3A_94, %dma_start3A_97] : memref<320000x128xf32, #tpu.memory_space<hbm>> -> memref<80x128xf32, #tpu.memory_space<hbm>>
        tpu.enqueue_dma source(%dma_start3A_98 : memref<80x128xf32, #tpu.memory_space<hbm>>) target(%arg8 : memref<80x128xf32, #tpu.memory_space<vmem>>) target_semaphore(%arg10 : memref<!tpu.dma_semaphore, #tpu.memory_space<semaphore_mem>>)
      } else {
      }
    }
    %scan3A_22 = arith.constant 62 : i32
    %dma_wait3A = arith.constant 123 : i32
    %dma_wait3A_23 = arith.constant 0 : i32
    %dma_wait3A_24 = tpu.memref_slice %arg6[%dma_wait3A, %dma_wait3A_23] : memref<125x80xi32, #tpu.memory_space<vmem>> -> memref<1x80xi32, #tpu.memory_space<vmem>>
    %dma_wait3A_25 = tpu.memref_squeeze %dma_wait3A_24 : memref<1x80xi32, #tpu.memory_space<vmem>> -> memref<80xi32, #tpu.memory_space<vmem>>
    %dma_wait3A_26 = arith.constant 0 : i32
    %dma_wait3A_27 = arith.constant 0 : i32
    %dma_wait3A_28 = tpu.memref_slice %arg13[%dma_wait3A_26, %dma_wait3A_27] : memref<10240x128xf32, #tpu.memory_space<vmem_shared>> -> memref<10240x128xf32, #tpu.memory_space<vmem_shared>>
    tpu.wait_indirect_dma semaphore(%arg12 : memref<!tpu.dma_semaphore, #tpu.memory_space<semaphore_mem>>) src(%arg8 : memref<80x128xf32, #tpu.memory_space<vmem>>) dst(%dma_wait3A_28 : memref<10240x128xf32, #tpu.memory_space<vmem_shared>>)
    %add3A_29 = arith.constant 9920 : i32
    %add3A_30 = arith.addi %mul3A_2, %add3A_29 : i32
    %dma_wait3A_31 = arith.constant 0 : i32
    %dma_wait3A_32 = tpu.memref_slice %arg2[%add3A_30, %dma_wait3A_31] : memref<320000x128xf32, #tpu.memory_space<hbm>> -> memref<80x128xf32, #tpu.memory_space<hbm>>
    %dma_wait3A_33 = arith.constant 0 : i32
    %dma_wait3A_34 = tpu.memref_slice %arg2[%add3A_30, %dma_wait3A_33] : memref<320000x128xf32, #tpu.memory_space<hbm>> -> memref<80x128xf32, #tpu.memory_space<hbm>>
    tpu.wait_dma2 semaphore(%arg9 : memref<!tpu.dma_semaphore, #tpu.memory_space<semaphore_mem>>) src(%dma_wait3A_34 : memref<80x128xf32, #tpu.memory_space<hbm>>) dst(%arg7 : memref<80x128xf32, #tpu.memory_space<vmem>>)
    %run_scoped3A = arith.constant 124 : i32
    "tpu.region"() ({
      %run_scoped3A_40 = tpu.sem_alloc : memref<!tpu.dma_semaphore, #tpu.memory_space<semaphore_mem>>
      %dma_start3A_41 = arith.constant 0 : i32
      %dma_start3A_42 = tpu.memref_slice %arg6[%run_scoped3A, %dma_start3A_41] : memref<125x80xi32, #tpu.memory_space<vmem>> -> memref<1x80xi32, #tpu.memory_space<vmem>>
      %dma_start3A_43 = tpu.memref_squeeze %dma_start3A_42 : memref<1x80xi32, #tpu.memory_space<vmem>> -> memref<80xi32, #tpu.memory_space<vmem>>
      %dma_start3A_44 = arith.constant 0 : i32
      %dma_start3A_45 = arith.constant 0 : i32
      %dma_start3A_46 = tpu.memref_slice %arg13[%dma_start3A_44, %dma_start3A_45] : memref<10240x128xf32, #tpu.memory_space<vmem_shared>> -> memref<10240x128xf32, #tpu.memory_space<vmem_shared>>
      tpu.enqueue_indirect_dma source(%arg7 : memref<80x128xf32, #tpu.memory_space<vmem>>) target(%dma_start3A_46 : memref<10240x128xf32, #tpu.memory_space<vmem_shared>>) offsets(%dma_start3A_43 : memref<80xi32, #tpu.memory_space<vmem>>) semaphore(%run_scoped3A_40 : memref<!tpu.dma_semaphore, #tpu.memory_space<semaphore_mem>>) {add = true}
      %dma_wait3A_47 = arith.constant 0 : i32
      %dma_wait3A_48 = tpu.memref_slice %arg6[%run_scoped3A, %dma_wait3A_47] : memref<125x80xi32, #tpu.memory_space<vmem>> -> memref<1x80xi32, #tpu.memory_space<vmem>>
      %dma_wait3A_49 = tpu.memref_squeeze %dma_wait3A_48 : memref<1x80xi32, #tpu.memory_space<vmem>> -> memref<80xi32, #tpu.memory_space<vmem>>
      %dma_wait3A_50 = arith.constant 0 : i32
      %dma_wait3A_51 = arith.constant 0 : i32
      %dma_wait3A_52 = tpu.memref_slice %arg13[%dma_wait3A_50, %dma_wait3A_51] : memref<10240x128xf32, #tpu.memory_space<vmem_shared>> -> memref<10240x128xf32, #tpu.memory_space<vmem_shared>>
      tpu.wait_indirect_dma semaphore(%run_scoped3A_40 : memref<!tpu.dma_semaphore, #tpu.memory_space<semaphore_mem>>) src(%arg7 : memref<80x128xf32, #tpu.memory_space<vmem>>) dst(%dma_wait3A_52 : memref<10240x128xf32, #tpu.memory_space<vmem_shared>>)
      tpu.yield
    }) : () -> ()
    %barrier3A_35 = arith.constant 0 : index
    tpu.barrier barrier_id(%barrier3A_35)
    %mul3A_36 = arith.constant 640 : i32
    %mul3A_37 = arith.muli %arg1, %mul3A_36 : i32
    %mul3A_38 = arith.constant 640 : i32
    %mul3A_39 = arith.muli %arg1, %mul3A_38 : i32
    "tpu.region"() ({
      %run_scoped3A_40 = tpu.sem_alloc : memref<!tpu.dma_semaphore, #tpu.memory_space<semaphore_mem>>
      %dma_start3A_41 = arith.constant 0 : i32
      %dma_start3A_42 = tpu.memref_slice %arg5[%arg0, %mul3A_39, %dma_start3A_41] : memref<2x10240x128xf32, #tpu.memory_space<hbm>> -> memref<1x640x128xf32, #tpu.memory_space<hbm>>
      %dma_start3A_43 = tpu.memref_squeeze %dma_start3A_42 : memref<1x640x128xf32, #tpu.memory_space<hbm>> -> memref<640x128xf32, #tpu.memory_space<hbm>>
      %dma_start3A_44 = arith.constant 0 : i32
      %dma_start3A_45 = tpu.memref_slice %arg13[%mul3A_37, %dma_start3A_44] : memref<10240x128xf32, #tpu.memory_space<vmem_shared>> -> memref<640x128xf32, #tpu.memory_space<vmem_shared>>
      tpu.enqueue_dma source(%dma_start3A_45 : memref<640x128xf32, #tpu.memory_space<vmem_shared>>) target(%dma_start3A_43 : memref<640x128xf32, #tpu.memory_space<hbm>>) target_semaphore(%run_scoped3A_40 : memref<!tpu.dma_semaphore, #tpu.memory_space<semaphore_mem>>)
      %dma_wait3A_46 = arith.constant 0 : i32
      %dma_wait3A_47 = tpu.memref_slice %arg5[%arg0, %mul3A_39, %dma_wait3A_46] : memref<2x10240x128xf32, #tpu.memory_space<hbm>> -> memref<1x640x128xf32, #tpu.memory_space<hbm>>
      %dma_wait3A_48 = tpu.memref_squeeze %dma_wait3A_47 : memref<1x640x128xf32, #tpu.memory_space<hbm>> -> memref<640x128xf32, #tpu.memory_space<hbm>>
      %dma_wait3A_49 = arith.constant 0 : i32
      %dma_wait3A_50 = tpu.memref_slice %arg13[%mul3A_37, %dma_wait3A_49] : memref<10240x128xf32, #tpu.memory_space<vmem_shared>> -> memref<640x128xf32, #tpu.memory_space<vmem_shared>>
      tpu.wait_dma2 semaphore(%run_scoped3A_40 : memref<!tpu.dma_semaphore, #tpu.memory_space<semaphore_mem>>) src(%dma_wait3A_50 : memref<640x128xf32, #tpu.memory_space<vmem_shared>>) dst(%dma_wait3A_48 : memref<640x128xf32, #tpu.memory_space<hbm>>)
      tpu.yield
    }) : () -> ()
    return
  }
}

#map = affine_map<(d0, d1) -> (0, 0)>
#map1 = affine_map<(d0, d1) -> (0, 0, 0)>
module attributes {stable_mosaic.version = 14 : i64} {
  func.func @_gather_body(%arg0: i32, %arg1: i32, %arg2: memref<10000x128xf32, #tpu.memory_space<hbm>>, %arg3: memref<10000x128xf32, #tpu.memory_space<hbm>>, %arg4: memref<32x125x80xi32, #tpu.memory_space<hbm>>, %arg5: memref<32x125x80xi32, #tpu.memory_space<hbm>>, %arg6: memref<320000x128xf32, #tpu.memory_space<hbm>>, %arg7: memref<320000x128xf32, #tpu.memory_space<hbm>>, %arg8: memref<125x80xi32, #tpu.memory_space<vmem>>, %arg9: memref<125x80xi32, #tpu.memory_space<vmem>>, %arg10: memref<80x128xf32, #tpu.memory_space<vmem>>, %arg11: memref<80x128xf32, #tpu.memory_space<vmem>>, %arg12: memref<80x128xf32, #tpu.memory_space<vmem>>, %arg13: memref<80x128xf32, #tpu.memory_space<vmem>>, %arg14: memref<!tpu.dma_semaphore, #tpu.memory_space<semaphore_mem>>, %arg15: memref<!tpu.dma_semaphore, #tpu.memory_space<semaphore_mem>>, %arg16: memref<!tpu.dma_semaphore, #tpu.memory_space<semaphore_mem>>, %arg17: memref<!tpu.dma_semaphore, #tpu.memory_space<semaphore_mem>>, %arg18: memref<!tpu.dma_semaphore, #tpu.memory_space<semaphore_mem>>, %arg19: memref<!tpu.dma_semaphore, #tpu.memory_space<semaphore_mem>>, %arg20: memref<!tpu.dma_semaphore, #tpu.memory_space<semaphore_mem>>, %arg21: memref<!tpu.dma_semaphore, #tpu.memory_space<semaphore_mem>>) attributes {dimension_semantics = [#tpu.dimension_semantics<core_parallel>, #tpu.dimension_semantics<subcore_parallel>], iteration_bounds = array<i64: 2, 16>, scalar_prefetch = 0 : i64, scratch_operands = 14 : i64, tpu.core_type = #tpu.core_type<sc_vector_subcore>, window_params = [{transform_indices = #map}, {transform_indices = #map}, {transform_indices = #map1}, {transform_indices = #map1}, {transform_indices = #map}, {transform_indices = #map}]} {
    %mul3A = arith.constant 2 : i32
    %mul3A_0 = arith.muli %arg1, %mul3A : i32
    %add3A = arith.addi %mul3A_0, %arg0 : i32
    %mul3A_1 = arith.constant 10000 : i32
    %mul3A_2 = arith.muli %add3A, %mul3A_1 : i32
    "tpu.region"() ({
      %run_scoped3A = tpu.sem_alloc : memref<!tpu.dma_semaphore, #tpu.memory_space<semaphore_mem>>
      %dma_start3A_64 = arith.constant 0 : i32
      %dma_start3A_65 = arith.constant 0 : i32
      %dma_start3A_66 = tpu.memref_slice %arg4[%add3A, %dma_start3A_64, %dma_start3A_65] : memref<32x125x80xi32, #tpu.memory_space<hbm>> -> memref<1x125x80xi32, #tpu.memory_space<hbm>>
      %dma_start3A_67 = tpu.memref_squeeze %dma_start3A_66 : memref<1x125x80xi32, #tpu.memory_space<hbm>> -> memref<125x80xi32, #tpu.memory_space<hbm>>
      %dma_start3A_68 = arith.constant 0 : i32
      %dma_start3A_69 = arith.constant 0 : i32
      %dma_start3A_70 = tpu.memref_slice %arg4[%add3A, %dma_start3A_68, %dma_start3A_69] : memref<32x125x80xi32, #tpu.memory_space<hbm>> -> memref<1x125x80xi32, #tpu.memory_space<hbm>>
      %dma_start3A_71 = tpu.memref_squeeze %dma_start3A_70 : memref<1x125x80xi32, #tpu.memory_space<hbm>> -> memref<125x80xi32, #tpu.memory_space<hbm>>
      tpu.enqueue_dma source(%dma_start3A_71 : memref<125x80xi32, #tpu.memory_space<hbm>>) target(%arg8 : memref<125x80xi32, #tpu.memory_space<vmem>>) target_semaphore(%run_scoped3A : memref<!tpu.dma_semaphore, #tpu.memory_space<semaphore_mem>>)
      %dma_wait3A_72 = arith.constant 0 : i32
      %dma_wait3A_73 = arith.constant 0 : i32
      %dma_wait3A_74 = tpu.memref_slice %arg4[%add3A, %dma_wait3A_72, %dma_wait3A_73] : memref<32x125x80xi32, #tpu.memory_space<hbm>> -> memref<1x125x80xi32, #tpu.memory_space<hbm>>
      %dma_wait3A_75 = tpu.memref_squeeze %dma_wait3A_74 : memref<1x125x80xi32, #tpu.memory_space<hbm>> -> memref<125x80xi32, #tpu.memory_space<hbm>>
      %dma_wait3A_76 = arith.constant 0 : i32
      %dma_wait3A_77 = arith.constant 0 : i32
      %dma_wait3A_78 = tpu.memref_slice %arg4[%add3A, %dma_wait3A_76, %dma_wait3A_77] : memref<32x125x80xi32, #tpu.memory_space<hbm>> -> memref<1x125x80xi32, #tpu.memory_space<hbm>>
      %dma_wait3A_79 = tpu.memref_squeeze %dma_wait3A_78 : memref<1x125x80xi32, #tpu.memory_space<hbm>> -> memref<125x80xi32, #tpu.memory_space<hbm>>
      tpu.wait_dma2 semaphore(%run_scoped3A : memref<!tpu.dma_semaphore, #tpu.memory_space<semaphore_mem>>) src(%dma_wait3A_79 : memref<125x80xi32, #tpu.memory_space<hbm>>) dst(%arg8 : memref<125x80xi32, #tpu.memory_space<vmem>>)
      tpu.yield
    }) : () -> ()
    "tpu.region"() ({
      %run_scoped3A = tpu.sem_alloc : memref<!tpu.dma_semaphore, #tpu.memory_space<semaphore_mem>>
      %dma_start3A_64 = arith.constant 0 : i32
      %dma_start3A_65 = arith.constant 0 : i32
      %dma_start3A_66 = tpu.memref_slice %arg5[%add3A, %dma_start3A_64, %dma_start3A_65] : memref<32x125x80xi32, #tpu.memory_space<hbm>> -> memref<1x125x80xi32, #tpu.memory_space<hbm>>
      %dma_start3A_67 = tpu.memref_squeeze %dma_start3A_66 : memref<1x125x80xi32, #tpu.memory_space<hbm>> -> memref<125x80xi32, #tpu.memory_space<hbm>>
      %dma_start3A_68 = arith.constant 0 : i32
      %dma_start3A_69 = arith.constant 0 : i32
      %dma_start3A_70 = tpu.memref_slice %arg5[%add3A, %dma_start3A_68, %dma_start3A_69] : memref<32x125x80xi32, #tpu.memory_space<hbm>> -> memref<1x125x80xi32, #tpu.memory_space<hbm>>
      %dma_start3A_71 = tpu.memref_squeeze %dma_start3A_70 : memref<1x125x80xi32, #tpu.memory_space<hbm>> -> memref<125x80xi32, #tpu.memory_space<hbm>>
      tpu.enqueue_dma source(%dma_start3A_71 : memref<125x80xi32, #tpu.memory_space<hbm>>) target(%arg9 : memref<125x80xi32, #tpu.memory_space<vmem>>) target_semaphore(%run_scoped3A : memref<!tpu.dma_semaphore, #tpu.memory_space<semaphore_mem>>)
      %dma_wait3A_72 = arith.constant 0 : i32
      %dma_wait3A_73 = arith.constant 0 : i32
      %dma_wait3A_74 = tpu.memref_slice %arg5[%add3A, %dma_wait3A_72, %dma_wait3A_73] : memref<32x125x80xi32, #tpu.memory_space<hbm>> -> memref<1x125x80xi32, #tpu.memory_space<hbm>>
      %dma_wait3A_75 = tpu.memref_squeeze %dma_wait3A_74 : memref<1x125x80xi32, #tpu.memory_space<hbm>> -> memref<125x80xi32, #tpu.memory_space<hbm>>
      %dma_wait3A_76 = arith.constant 0 : i32
      %dma_wait3A_77 = arith.constant 0 : i32
      %dma_wait3A_78 = tpu.memref_slice %arg5[%add3A, %dma_wait3A_76, %dma_wait3A_77] : memref<32x125x80xi32, #tpu.memory_space<hbm>> -> memref<1x125x80xi32, #tpu.memory_space<hbm>>
      %dma_wait3A_79 = tpu.memref_squeeze %dma_wait3A_78 : memref<1x125x80xi32, #tpu.memory_space<hbm>> -> memref<125x80xi32, #tpu.memory_space<hbm>>
      tpu.wait_dma2 semaphore(%run_scoped3A : memref<!tpu.dma_semaphore, #tpu.memory_space<semaphore_mem>>) src(%dma_wait3A_79 : memref<125x80xi32, #tpu.memory_space<hbm>>) dst(%arg9 : memref<125x80xi32, #tpu.memory_space<vmem>>)
      tpu.yield
    }) : () -> ()
    %dma_start3A = arith.constant 0 : i32
    %dma_start3A_3 = arith.constant 0 : i32
    %dma_start3A_4 = tpu.memref_slice %arg8[%dma_start3A, %dma_start3A_3] : memref<125x80xi32, #tpu.memory_space<vmem>> -> memref<1x80xi32, #tpu.memory_space<vmem>>
    %dma_start3A_5 = tpu.memref_squeeze %dma_start3A_4 : memref<1x80xi32, #tpu.memory_space<vmem>> -> memref<80xi32, #tpu.memory_space<vmem>>
    %dma_start3A_6 = arith.constant 0 : i32
    %dma_start3A_7 = arith.constant 0 : i32
    %dma_start3A_8 = tpu.memref_slice %arg2[%dma_start3A_6, %dma_start3A_7] : memref<10000x128xf32, #tpu.memory_space<hbm>> -> memref<10000x128xf32, #tpu.memory_space<hbm>>
    tpu.enqueue_indirect_dma source(%dma_start3A_8 : memref<10000x128xf32, #tpu.memory_space<hbm>>) target(%arg10 : memref<80x128xf32, #tpu.memory_space<vmem>>) offsets(%dma_start3A_5 : memref<80xi32, #tpu.memory_space<vmem>>) semaphore(%arg14 : memref<!tpu.dma_semaphore, #tpu.memory_space<semaphore_mem>>)
    %dma_start3A_9 = arith.constant 0 : i32
    %dma_start3A_10 = arith.constant 0 : i32
    %dma_start3A_11 = tpu.memref_slice %arg9[%dma_start3A_9, %dma_start3A_10] : memref<125x80xi32, #tpu.memory_space<vmem>> -> memref<1x80xi32, #tpu.memory_space<vmem>>
    %dma_start3A_12 = tpu.memref_squeeze %dma_start3A_11 : memref<1x80xi32, #tpu.memory_space<vmem>> -> memref<80xi32, #tpu.memory_space<vmem>>
    %dma_start3A_13 = arith.constant 0 : i32
    %dma_start3A_14 = arith.constant 0 : i32
    %dma_start3A_15 = tpu.memref_slice %arg3[%dma_start3A_13, %dma_start3A_14] : memref<10000x128xf32, #tpu.memory_space<hbm>> -> memref<10000x128xf32, #tpu.memory_space<hbm>>
    tpu.enqueue_indirect_dma source(%dma_start3A_15 : memref<10000x128xf32, #tpu.memory_space<hbm>>) target(%arg12 : memref<80x128xf32, #tpu.memory_space<vmem>>) offsets(%dma_start3A_12 : memref<80xi32, #tpu.memory_space<vmem>>) semaphore(%arg16 : memref<!tpu.dma_semaphore, #tpu.memory_space<semaphore_mem>>)
    %dma_start3A_16 = arith.constant 1 : i32
    %dma_start3A_17 = arith.constant 0 : i32
    %dma_start3A_18 = tpu.memref_slice %arg8[%dma_start3A_16, %dma_start3A_17] : memref<125x80xi32, #tpu.memory_space<vmem>> -> memref<1x80xi32, #tpu.memory_space<vmem>>
    %dma_start3A_19 = tpu.memref_squeeze %dma_start3A_18 : memref<1x80xi32, #tpu.memory_space<vmem>> -> memref<80xi32, #tpu.memory_space<vmem>>
    %dma_start3A_20 = arith.constant 0 : i32
    %dma_start3A_21 = arith.constant 0 : i32
    %dma_start3A_22 = tpu.memref_slice %arg2[%dma_start3A_20, %dma_start3A_21] : memref<10000x128xf32, #tpu.memory_space<hbm>> -> memref<10000x128xf32, #tpu.memory_space<hbm>>
    tpu.enqueue_indirect_dma source(%dma_start3A_22 : memref<10000x128xf32, #tpu.memory_space<hbm>>) target(%arg11 : memref<80x128xf32, #tpu.memory_space<vmem>>) offsets(%dma_start3A_19 : memref<80xi32, #tpu.memory_space<vmem>>) semaphore(%arg15 : memref<!tpu.dma_semaphore, #tpu.memory_space<semaphore_mem>>)
    %dma_start3A_23 = arith.constant 1 : i32
    %dma_start3A_24 = arith.constant 0 : i32
    %dma_start3A_25 = tpu.memref_slice %arg9[%dma_start3A_23, %dma_start3A_24] : memref<125x80xi32, #tpu.memory_space<vmem>> -> memref<1x80xi32, #tpu.memory_space<vmem>>
    %dma_start3A_26 = tpu.memref_squeeze %dma_start3A_25 : memref<1x80xi32, #tpu.memory_space<vmem>> -> memref<80xi32, #tpu.memory_space<vmem>>
    %dma_start3A_27 = arith.constant 0 : i32
    %dma_start3A_28 = arith.constant 0 : i32
    %dma_start3A_29 = tpu.memref_slice %arg3[%dma_start3A_27, %dma_start3A_28] : memref<10000x128xf32, #tpu.memory_space<hbm>> -> memref<10000x128xf32, #tpu.memory_space<hbm>>
    tpu.enqueue_indirect_dma source(%dma_start3A_29 : memref<10000x128xf32, #tpu.memory_space<hbm>>) target(%arg13 : memref<80x128xf32, #tpu.memory_space<vmem>>) offsets(%dma_start3A_26 : memref<80xi32, #tpu.memory_space<vmem>>) semaphore(%arg17 : memref<!tpu.dma_semaphore, #tpu.memory_space<semaphore_mem>>)
    %scan3A = arith.constant 0 : i32
    %scan3A_30 = arith.constant 0 : i32
    %scan3A_31 = arith.constant 62 : i32
    %scan3A_32 = arith.addi %scan3A_30, %scan3A_31 : i32
    %scan3A_33 = arith.constant 1 : i32
    scf.for %scan3A_64 = %scan3A_30 to %scan3A_32 step %scan3A_33  : i32 {
      %mul3A_65 = arith.constant 2 : i32
      %mul3A_66 = arith.muli %mul3A_65, %scan3A_64 : i32
      %add3A_67 = arith.constant 0 : i32
      %add3A_68 = arith.addi %mul3A_66, %add3A_67 : i32
      %dma_wait3A_69 = arith.constant 0 : i32
      %dma_wait3A_70 = tpu.memref_slice %arg8[%add3A_68, %dma_wait3A_69] : memref<125x80xi32, #tpu.memory_space<vmem>> -> memref<1x80xi32, #tpu.memory_space<vmem>>
      %dma_wait3A_71 = tpu.memref_squeeze %dma_wait3A_70 : memref<1x80xi32, #tpu.memory_space<vmem>> -> memref<80xi32, #tpu.memory_space<vmem>>
      %dma_wait3A_72 = arith.constant 0 : i32
      %dma_wait3A_73 = arith.constant 0 : i32
      %dma_wait3A_74 = tpu.memref_slice %arg2[%dma_wait3A_72, %dma_wait3A_73] : memref<10000x128xf32, #tpu.memory_space<hbm>> -> memref<10000x128xf32, #tpu.memory_space<hbm>>
      tpu.wait_indirect_dma semaphore(%arg14 : memref<!tpu.dma_semaphore, #tpu.memory_space<semaphore_mem>>) src(%dma_wait3A_74 : memref<10000x128xf32, #tpu.memory_space<hbm>>) dst(%arg10 : memref<80x128xf32, #tpu.memory_space<vmem>>)
      %mul3A_75 = arith.constant 80 : i32
      %mul3A_76 = arith.muli %add3A_68, %mul3A_75 : i32
      %add3A_77 = arith.addi %mul3A_2, %mul3A_76 : i32
      %dma_start3A_78 = arith.constant 0 : i32
      %dma_start3A_79 = tpu.memref_slice %arg6[%add3A_77, %dma_start3A_78] : memref<320000x128xf32, #tpu.memory_space<hbm>> -> memref<80x128xf32, #tpu.memory_space<hbm>>
      %dma_start3A_80 = arith.constant 0 : i32
      %dma_start3A_81 = tpu.memref_slice %arg6[%add3A_77, %dma_start3A_80] : memref<320000x128xf32, #tpu.memory_space<hbm>> -> memref<80x128xf32, #tpu.memory_space<hbm>>
      tpu.enqueue_dma source(%arg10 : memref<80x128xf32, #tpu.memory_space<vmem>>) target(%dma_start3A_81 : memref<80x128xf32, #tpu.memory_space<hbm>>) target_semaphore(%arg18 : memref<!tpu.dma_semaphore, #tpu.memory_space<semaphore_mem>>)
      %dma_wait3A_82 = arith.constant 0 : i32
      %dma_wait3A_83 = tpu.memref_slice %arg9[%add3A_68, %dma_wait3A_82] : memref<125x80xi32, #tpu.memory_space<vmem>> -> memref<1x80xi32, #tpu.memory_space<vmem>>
      %dma_wait3A_84 = tpu.memref_squeeze %dma_wait3A_83 : memref<1x80xi32, #tpu.memory_space<vmem>> -> memref<80xi32, #tpu.memory_space<vmem>>
      %dma_wait3A_85 = arith.constant 0 : i32
      %dma_wait3A_86 = arith.constant 0 : i32
      %dma_wait3A_87 = tpu.memref_slice %arg3[%dma_wait3A_85, %dma_wait3A_86] : memref<10000x128xf32, #tpu.memory_space<hbm>> -> memref<10000x128xf32, #tpu.memory_space<hbm>>
      tpu.wait_indirect_dma semaphore(%arg16 : memref<!tpu.dma_semaphore, #tpu.memory_space<semaphore_mem>>) src(%dma_wait3A_87 : memref<10000x128xf32, #tpu.memory_space<hbm>>) dst(%arg12 : memref<80x128xf32, #tpu.memory_space<vmem>>)
      %mul3A_88 = arith.constant 80 : i32
      %mul3A_89 = arith.muli %add3A_68, %mul3A_88 : i32
      %add3A_90 = arith.addi %mul3A_2, %mul3A_89 : i32
      %dma_start3A_91 = arith.constant 0 : i32
      %dma_start3A_92 = tpu.memref_slice %arg7[%add3A_90, %dma_start3A_91] : memref<320000x128xf32, #tpu.memory_space<hbm>> -> memref<80x128xf32, #tpu.memory_space<hbm>>
      %dma_start3A_93 = arith.constant 0 : i32
      %dma_start3A_94 = tpu.memref_slice %arg7[%add3A_90, %dma_start3A_93] : memref<320000x128xf32, #tpu.memory_space<hbm>> -> memref<80x128xf32, #tpu.memory_space<hbm>>
      tpu.enqueue_dma source(%arg12 : memref<80x128xf32, #tpu.memory_space<vmem>>) target(%dma_start3A_94 : memref<80x128xf32, #tpu.memory_space<hbm>>) target_semaphore(%arg20 : memref<!tpu.dma_semaphore, #tpu.memory_space<semaphore_mem>>)
      %add3A_95 = arith.constant 2 : i32
      %add3A_96 = arith.addi %add3A_68, %add3A_95 : i32
      %lt3A = arith.constant 125 : i32
      %lt3A_97 = arith.cmpi slt, %add3A_96, %lt3A : i32
      %convert_element_type3A = arith.extui %lt3A_97 : i1 to i32
      %cond3A = arith.constant 0 : i32
      %cond3A_98 = arith.cmpi ne, %convert_element_type3A, %cond3A : i32
      scf.if %cond3A_98 {
        %mul3A_134 = arith.constant 80 : i32
        %mul3A_135 = arith.muli %add3A_68, %mul3A_134 : i32
        %add3A_136 = arith.addi %mul3A_2, %mul3A_135 : i32
        %dma_wait3A_137 = arith.constant 0 : i32
        %dma_wait3A_138 = tpu.memref_slice %arg6[%add3A_136, %dma_wait3A_137] : memref<320000x128xf32, #tpu.memory_space<hbm>> -> memref<80x128xf32, #tpu.memory_space<hbm>>
        %dma_wait3A_139 = arith.constant 0 : i32
        %dma_wait3A_140 = tpu.memref_slice %arg6[%add3A_136, %dma_wait3A_139] : memref<320000x128xf32, #tpu.memory_space<hbm>> -> memref<80x128xf32, #tpu.memory_space<hbm>>
        tpu.wait_dma2 semaphore(%arg18 : memref<!tpu.dma_semaphore, #tpu.memory_space<semaphore_mem>>) src(%arg10 : memref<80x128xf32, #tpu.memory_space<vmem>>) dst(%dma_wait3A_140 : memref<80x128xf32, #tpu.memory_space<hbm>>)
        %add3A_141 = arith.constant 2 : i32
        %add3A_142 = arith.addi %add3A_68, %add3A_141 : i32
        %dma_start3A_143 = arith.constant 0 : i32
        %dma_start3A_144 = tpu.memref_slice %arg8[%add3A_142, %dma_start3A_143] : memref<125x80xi32, #tpu.memory_space<vmem>> -> memref<1x80xi32, #tpu.memory_space<vmem>>
        %dma_start3A_145 = tpu.memref_squeeze %dma_start3A_144 : memref<1x80xi32, #tpu.memory_space<vmem>> -> memref<80xi32, #tpu.memory_space<vmem>>
        %dma_start3A_146 = arith.constant 0 : i32
        %dma_start3A_147 = arith.constant 0 : i32
        %dma_start3A_148 = tpu.memref_slice %arg2[%dma_start3A_146, %dma_start3A_147] : memref<10000x128xf32, #tpu.memory_space<hbm>> -> memref<10000x128xf32, #tpu.memory_space<hbm>>
        tpu.enqueue_indirect_dma source(%dma_start3A_148 : memref<10000x128xf32, #tpu.memory_space<hbm>>) target(%arg10 : memref<80x128xf32, #tpu.memory_space<vmem>>) offsets(%dma_start3A_145 : memref<80xi32, #tpu.memory_space<vmem>>) semaphore(%arg14 : memref<!tpu.dma_semaphore, #tpu.memory_space<semaphore_mem>>)
        %mul3A_149 = arith.constant 80 : i32
        %mul3A_150 = arith.muli %add3A_68, %mul3A_149 : i32
        %add3A_151 = arith.addi %mul3A_2, %mul3A_150 : i32
        %dma_wait3A_152 = arith.constant 0 : i32
        %dma_wait3A_153 = tpu.memref_slice %arg7[%add3A_151, %dma_wait3A_152] : memref<320000x128xf32, #tpu.memory_space<hbm>> -> memref<80x128xf32, #tpu.memory_space<hbm>>
        %dma_wait3A_154 = arith.constant 0 : i32
        %dma_wait3A_155 = tpu.memref_slice %arg7[%add3A_151, %dma_wait3A_154] : memref<320000x128xf32, #tpu.memory_space<hbm>> -> memref<80x128xf32, #tpu.memory_space<hbm>>
        tpu.wait_dma2 semaphore(%arg20 : memref<!tpu.dma_semaphore, #tpu.memory_space<semaphore_mem>>) src(%arg12 : memref<80x128xf32, #tpu.memory_space<vmem>>) dst(%dma_wait3A_155 : memref<80x128xf32, #tpu.memory_space<hbm>>)
        %add3A_156 = arith.constant 2 : i32
        %add3A_157 = arith.addi %add3A_68, %add3A_156 : i32
        %dma_start3A_158 = arith.constant 0 : i32
        %dma_start3A_159 = tpu.memref_slice %arg9[%add3A_157, %dma_start3A_158] : memref<125x80xi32, #tpu.memory_space<vmem>> -> memref<1x80xi32, #tpu.memory_space<vmem>>
        %dma_start3A_160 = tpu.memref_squeeze %dma_start3A_159 : memref<1x80xi32, #tpu.memory_space<vmem>> -> memref<80xi32, #tpu.memory_space<vmem>>
        %dma_start3A_161 = arith.constant 0 : i32
        %dma_start3A_162 = arith.constant 0 : i32
        %dma_start3A_163 = tpu.memref_slice %arg3[%dma_start3A_161, %dma_start3A_162] : memref<10000x128xf32, #tpu.memory_space<hbm>> -> memref<10000x128xf32, #tpu.memory_space<hbm>>
        tpu.enqueue_indirect_dma source(%dma_start3A_163 : memref<10000x128xf32, #tpu.memory_space<hbm>>) target(%arg12 : memref<80x128xf32, #tpu.memory_space<vmem>>) offsets(%dma_start3A_160 : memref<80xi32, #tpu.memory_space<vmem>>) semaphore(%arg16 : memref<!tpu.dma_semaphore, #tpu.memory_space<semaphore_mem>>)
      } else {
      }
      %add3A_99 = arith.constant 1 : i32
      %add3A_100 = arith.addi %mul3A_66, %add3A_99 : i32
      %dma_wait3A_101 = arith.constant 0 : i32
      %dma_wait3A_102 = tpu.memref_slice %arg8[%add3A_100, %dma_wait3A_101] : memref<125x80xi32, #tpu.memory_space<vmem>> -> memref<1x80xi32, #tpu.memory_space<vmem>>
      %dma_wait3A_103 = tpu.memref_squeeze %dma_wait3A_102 : memref<1x80xi32, #tpu.memory_space<vmem>> -> memref<80xi32, #tpu.memory_space<vmem>>
      %dma_wait3A_104 = arith.constant 0 : i32
      %dma_wait3A_105 = arith.constant 0 : i32
      %dma_wait3A_106 = tpu.memref_slice %arg2[%dma_wait3A_104, %dma_wait3A_105] : memref<10000x128xf32, #tpu.memory_space<hbm>> -> memref<10000x128xf32, #tpu.memory_space<hbm>>
      tpu.wait_indirect_dma semaphore(%arg15 : memref<!tpu.dma_semaphore, #tpu.memory_space<semaphore_mem>>) src(%dma_wait3A_106 : memref<10000x128xf32, #tpu.memory_space<hbm>>) dst(%arg11 : memref<80x128xf32, #tpu.memory_space<vmem>>)
      %mul3A_107 = arith.constant 80 : i32
      %mul3A_108 = arith.muli %add3A_100, %mul3A_107 : i32
      %add3A_109 = arith.addi %mul3A_2, %mul3A_108 : i32
      %dma_start3A_110 = arith.constant 0 : i32
      %dma_start3A_111 = tpu.memref_slice %arg6[%add3A_109, %dma_start3A_110] : memref<320000x128xf32, #tpu.memory_space<hbm>> -> memref<80x128xf32, #tpu.memory_space<hbm>>
      %dma_start3A_112 = arith.constant 0 : i32
      %dma_start3A_113 = tpu.memref_slice %arg6[%add3A_109, %dma_start3A_112] : memref<320000x128xf32, #tpu.memory_space<hbm>> -> memref<80x128xf32, #tpu.memory_space<hbm>>
      tpu.enqueue_dma source(%arg11 : memref<80x128xf32, #tpu.memory_space<vmem>>) target(%dma_start3A_113 : memref<80x128xf32, #tpu.memory_space<hbm>>) target_semaphore(%arg19 : memref<!tpu.dma_semaphore, #tpu.memory_space<semaphore_mem>>)
      %dma_wait3A_114 = arith.constant 0 : i32
      %dma_wait3A_115 = tpu.memref_slice %arg9[%add3A_100, %dma_wait3A_114] : memref<125x80xi32, #tpu.memory_space<vmem>> -> memref<1x80xi32, #tpu.memory_space<vmem>>
      %dma_wait3A_116 = tpu.memref_squeeze %dma_wait3A_115 : memref<1x80xi32, #tpu.memory_space<vmem>> -> memref<80xi32, #tpu.memory_space<vmem>>
      %dma_wait3A_117 = arith.constant 0 : i32
      %dma_wait3A_118 = arith.constant 0 : i32
      %dma_wait3A_119 = tpu.memref_slice %arg3[%dma_wait3A_117, %dma_wait3A_118] : memref<10000x128xf32, #tpu.memory_space<hbm>> -> memref<10000x128xf32, #tpu.memory_space<hbm>>
      tpu.wait_indirect_dma semaphore(%arg17 : memref<!tpu.dma_semaphore, #tpu.memory_space<semaphore_mem>>) src(%dma_wait3A_119 : memref<10000x128xf32, #tpu.memory_space<hbm>>) dst(%arg13 : memref<80x128xf32, #tpu.memory_space<vmem>>)
      %mul3A_120 = arith.constant 80 : i32
      %mul3A_121 = arith.muli %add3A_100, %mul3A_120 : i32
      %add3A_122 = arith.addi %mul3A_2, %mul3A_121 : i32
      %dma_start3A_123 = arith.constant 0 : i32
      %dma_start3A_124 = tpu.memref_slice %arg7[%add3A_122, %dma_start3A_123] : memref<320000x128xf32, #tpu.memory_space<hbm>> -> memref<80x128xf32, #tpu.memory_space<hbm>>
      %dma_start3A_125 = arith.constant 0 : i32
      %dma_start3A_126 = tpu.memref_slice %arg7[%add3A_122, %dma_start3A_125] : memref<320000x128xf32, #tpu.memory_space<hbm>> -> memref<80x128xf32, #tpu.memory_space<hbm>>
      tpu.enqueue_dma source(%arg13 : memref<80x128xf32, #tpu.memory_space<vmem>>) target(%dma_start3A_126 : memref<80x128xf32, #tpu.memory_space<hbm>>) target_semaphore(%arg21 : memref<!tpu.dma_semaphore, #tpu.memory_space<semaphore_mem>>)
      %add3A_127 = arith.constant 2 : i32
      %add3A_128 = arith.addi %add3A_100, %add3A_127 : i32
      %lt3A_129 = arith.constant 125 : i32
      %lt3A_130 = arith.cmpi slt, %add3A_128, %lt3A_129 : i32
      %convert_element_type3A_131 = arith.extui %lt3A_130 : i1 to i32
      %cond3A_132 = arith.constant 0 : i32
      %cond3A_133 = arith.cmpi ne, %convert_element_type3A_131, %cond3A_132 : i32
      scf.if %cond3A_133 {
        %mul3A_134 = arith.constant 80 : i32
        %mul3A_135 = arith.muli %add3A_100, %mul3A_134 : i32
        %add3A_136 = arith.addi %mul3A_2, %mul3A_135 : i32
        %dma_wait3A_137 = arith.constant 0 : i32
        %dma_wait3A_138 = tpu.memref_slice %arg6[%add3A_136, %dma_wait3A_137] : memref<320000x128xf32, #tpu.memory_space<hbm>> -> memref<80x128xf32, #tpu.memory_space<hbm>>
        %dma_wait3A_139 = arith.constant 0 : i32
        %dma_wait3A_140 = tpu.memref_slice %arg6[%add3A_136, %dma_wait3A_139] : memref<320000x128xf32, #tpu.memory_space<hbm>> -> memref<80x128xf32, #tpu.memory_space<hbm>>
        tpu.wait_dma2 semaphore(%arg19 : memref<!tpu.dma_semaphore, #tpu.memory_space<semaphore_mem>>) src(%arg11 : memref<80x128xf32, #tpu.memory_space<vmem>>) dst(%dma_wait3A_140 : memref<80x128xf32, #tpu.memory_space<hbm>>)
        %add3A_141 = arith.constant 2 : i32
        %add3A_142 = arith.addi %add3A_100, %add3A_141 : i32
        %dma_start3A_143 = arith.constant 0 : i32
        %dma_start3A_144 = tpu.memref_slice %arg8[%add3A_142, %dma_start3A_143] : memref<125x80xi32, #tpu.memory_space<vmem>> -> memref<1x80xi32, #tpu.memory_space<vmem>>
        %dma_start3A_145 = tpu.memref_squeeze %dma_start3A_144 : memref<1x80xi32, #tpu.memory_space<vmem>> -> memref<80xi32, #tpu.memory_space<vmem>>
        %dma_start3A_146 = arith.constant 0 : i32
        %dma_start3A_147 = arith.constant 0 : i32
        %dma_start3A_148 = tpu.memref_slice %arg2[%dma_start3A_146, %dma_start3A_147] : memref<10000x128xf32, #tpu.memory_space<hbm>> -> memref<10000x128xf32, #tpu.memory_space<hbm>>
        tpu.enqueue_indirect_dma source(%dma_start3A_148 : memref<10000x128xf32, #tpu.memory_space<hbm>>) target(%arg11 : memref<80x128xf32, #tpu.memory_space<vmem>>) offsets(%dma_start3A_145 : memref<80xi32, #tpu.memory_space<vmem>>) semaphore(%arg15 : memref<!tpu.dma_semaphore, #tpu.memory_space<semaphore_mem>>)
        %mul3A_149 = arith.constant 80 : i32
        %mul3A_150 = arith.muli %add3A_100, %mul3A_149 : i32
        %add3A_151 = arith.addi %mul3A_2, %mul3A_150 : i32
        %dma_wait3A_152 = arith.constant 0 : i32
        %dma_wait3A_153 = tpu.memref_slice %arg7[%add3A_151, %dma_wait3A_152] : memref<320000x128xf32, #tpu.memory_space<hbm>> -> memref<80x128xf32, #tpu.memory_space<hbm>>
        %dma_wait3A_154 = arith.constant 0 : i32
        %dma_wait3A_155 = tpu.memref_slice %arg7[%add3A_151, %dma_wait3A_154] : memref<320000x128xf32, #tpu.memory_space<hbm>> -> memref<80x128xf32, #tpu.memory_space<hbm>>
        tpu.wait_dma2 semaphore(%arg21 : memref<!tpu.dma_semaphore, #tpu.memory_space<semaphore_mem>>) src(%arg13 : memref<80x128xf32, #tpu.memory_space<vmem>>) dst(%dma_wait3A_155 : memref<80x128xf32, #tpu.memory_space<hbm>>)
        %add3A_156 = arith.constant 2 : i32
        %add3A_157 = arith.addi %add3A_100, %add3A_156 : i32
        %dma_start3A_158 = arith.constant 0 : i32
        %dma_start3A_159 = tpu.memref_slice %arg9[%add3A_157, %dma_start3A_158] : memref<125x80xi32, #tpu.memory_space<vmem>> -> memref<1x80xi32, #tpu.memory_space<vmem>>
        %dma_start3A_160 = tpu.memref_squeeze %dma_start3A_159 : memref<1x80xi32, #tpu.memory_space<vmem>> -> memref<80xi32, #tpu.memory_space<vmem>>
        %dma_start3A_161 = arith.constant 0 : i32
        %dma_start3A_162 = arith.constant 0 : i32
        %dma_start3A_163 = tpu.memref_slice %arg3[%dma_start3A_161, %dma_start3A_162] : memref<10000x128xf32, #tpu.memory_space<hbm>> -> memref<10000x128xf32, #tpu.memory_space<hbm>>
        tpu.enqueue_indirect_dma source(%dma_start3A_163 : memref<10000x128xf32, #tpu.memory_space<hbm>>) target(%arg13 : memref<80x128xf32, #tpu.memory_space<vmem>>) offsets(%dma_start3A_160 : memref<80xi32, #tpu.memory_space<vmem>>) semaphore(%arg17 : memref<!tpu.dma_semaphore, #tpu.memory_space<semaphore_mem>>)
      } else {
      }
    }
    %scan3A_34 = arith.constant 62 : i32
    %add3A_35 = arith.constant 9840 : i32
    %add3A_36 = arith.addi %mul3A_2, %add3A_35 : i32
    %dma_wait3A = arith.constant 0 : i32
    %dma_wait3A_37 = tpu.memref_slice %arg6[%add3A_36, %dma_wait3A] : memref<320000x128xf32, #tpu.memory_space<hbm>> -> memref<80x128xf32, #tpu.memory_space<hbm>>
    %dma_wait3A_38 = arith.constant 0 : i32
    %dma_wait3A_39 = tpu.memref_slice %arg6[%add3A_36, %dma_wait3A_38] : memref<320000x128xf32, #tpu.memory_space<hbm>> -> memref<80x128xf32, #tpu.memory_space<hbm>>
    tpu.wait_dma2 semaphore(%arg19 : memref<!tpu.dma_semaphore, #tpu.memory_space<semaphore_mem>>) src(%arg11 : memref<80x128xf32, #tpu.memory_space<vmem>>) dst(%dma_wait3A_39 : memref<80x128xf32, #tpu.memory_space<hbm>>)
    %add3A_40 = arith.constant 9840 : i32
    %add3A_41 = arith.addi %mul3A_2, %add3A_40 : i32
    %dma_wait3A_42 = arith.constant 0 : i32
    %dma_wait3A_43 = tpu.memref_slice %arg7[%add3A_41, %dma_wait3A_42] : memref<320000x128xf32, #tpu.memory_space<hbm>> -> memref<80x128xf32, #tpu.memory_space<hbm>>
    %dma_wait3A_44 = arith.constant 0 : i32
    %dma_wait3A_45 = tpu.memref_slice %arg7[%add3A_41, %dma_wait3A_44] : memref<320000x128xf32, #tpu.memory_space<hbm>> -> memref<80x128xf32, #tpu.memory_space<hbm>>
    tpu.wait_dma2 semaphore(%arg21 : memref<!tpu.dma_semaphore, #tpu.memory_space<semaphore_mem>>) src(%arg13 : memref<80x128xf32, #tpu.memory_space<vmem>>) dst(%dma_wait3A_45 : memref<80x128xf32, #tpu.memory_space<hbm>>)
    %dma_wait3A_46 = arith.constant 124 : i32
    %dma_wait3A_47 = arith.constant 0 : i32
    %dma_wait3A_48 = tpu.memref_slice %arg8[%dma_wait3A_46, %dma_wait3A_47] : memref<125x80xi32, #tpu.memory_space<vmem>> -> memref<1x80xi32, #tpu.memory_space<vmem>>
    %dma_wait3A_49 = tpu.memref_squeeze %dma_wait3A_48 : memref<1x80xi32, #tpu.memory_space<vmem>> -> memref<80xi32, #tpu.memory_space<vmem>>
    %dma_wait3A_50 = arith.constant 0 : i32
    %dma_wait3A_51 = arith.constant 0 : i32
    %dma_wait3A_52 = tpu.memref_slice %arg2[%dma_wait3A_50, %dma_wait3A_51] : memref<10000x128xf32, #tpu.memory_space<hbm>> -> memref<10000x128xf32, #tpu.memory_space<hbm>>
    tpu.wait_indirect_dma semaphore(%arg14 : memref<!tpu.dma_semaphore, #tpu.memory_space<semaphore_mem>>) src(%dma_wait3A_52 : memref<10000x128xf32, #tpu.memory_space<hbm>>) dst(%arg10 : memref<80x128xf32, #tpu.memory_space<vmem>>)
    %add3A_53 = arith.constant 9920 : i32
    %add3A_54 = arith.addi %mul3A_2, %add3A_53 : i32
    "tpu.region"() ({
      %run_scoped3A = tpu.sem_alloc : memref<!tpu.dma_semaphore, #tpu.memory_space<semaphore_mem>>
      %dma_start3A_64 = arith.constant 0 : i32
      %dma_start3A_65 = tpu.memref_slice %arg6[%add3A_54, %dma_start3A_64] : memref<320000x128xf32, #tpu.memory_space<hbm>> -> memref<80x128xf32, #tpu.memory_space<hbm>>
      %dma_start3A_66 = arith.constant 0 : i32
      %dma_start3A_67 = tpu.memref_slice %arg6[%add3A_54, %dma_start3A_66] : memref<320000x128xf32, #tpu.memory_space<hbm>> -> memref<80x128xf32, #tpu.memory_space<hbm>>
      tpu.enqueue_dma source(%arg10 : memref<80x128xf32, #tpu.memory_space<vmem>>) target(%dma_start3A_67 : memref<80x128xf32, #tpu.memory_space<hbm>>) target_semaphore(%run_scoped3A : memref<!tpu.dma_semaphore, #tpu.memory_space<semaphore_mem>>)
      %dma_wait3A_68 = arith.constant 0 : i32
      %dma_wait3A_69 = tpu.memref_slice %arg6[%add3A_54, %dma_wait3A_68] : memref<320000x128xf32, #tpu.memory_space<hbm>> -> memref<80x128xf32, #tpu.memory_space<hbm>>
      %dma_wait3A_70 = arith.constant 0 : i32
      %dma_wait3A_71 = tpu.memref_slice %arg6[%add3A_54, %dma_wait3A_70] : memref<320000x128xf32, #tpu.memory_space<hbm>> -> memref<80x128xf32, #tpu.memory_space<hbm>>
      tpu.wait_dma2 semaphore(%run_scoped3A : memref<!tpu.dma_semaphore, #tpu.memory_space<semaphore_mem>>) src(%arg10 : memref<80x128xf32, #tpu.memory_space<vmem>>) dst(%dma_wait3A_71 : memref<80x128xf32, #tpu.memory_space<hbm>>)
      tpu.yield
    }) : () -> ()
    %dma_wait3A_55 = arith.constant 124 : i32
    %dma_wait3A_56 = arith.constant 0 : i32
    %dma_wait3A_57 = tpu.memref_slice %arg9[%dma_wait3A_55, %dma_wait3A_56] : memref<125x80xi32, #tpu.memory_space<vmem>> -> memref<1x80xi32, #tpu.memory_space<vmem>>
    %dma_wait3A_58 = tpu.memref_squeeze %dma_wait3A_57 : memref<1x80xi32, #tpu.memory_space<vmem>> -> memref<80xi32, #tpu.memory_space<vmem>>
    %dma_wait3A_59 = arith.constant 0 : i32
    %dma_wait3A_60 = arith.constant 0 : i32
    %dma_wait3A_61 = tpu.memref_slice %arg3[%dma_wait3A_59, %dma_wait3A_60] : memref<10000x128xf32, #tpu.memory_space<hbm>> -> memref<10000x128xf32, #tpu.memory_space<hbm>>
    tpu.wait_indirect_dma semaphore(%arg16 : memref<!tpu.dma_semaphore, #tpu.memory_space<semaphore_mem>>) src(%dma_wait3A_61 : memref<10000x128xf32, #tpu.memory_space<hbm>>) dst(%arg12 : memref<80x128xf32, #tpu.memory_space<vmem>>)
    %add3A_62 = arith.constant 9920 : i32
    %add3A_63 = arith.addi %mul3A_2, %add3A_62 : i32
    "tpu.region"() ({
      %run_scoped3A = tpu.sem_alloc : memref<!tpu.dma_semaphore, #tpu.memory_space<semaphore_mem>>
      %dma_start3A_64 = arith.constant 0 : i32
      %dma_start3A_65 = tpu.memref_slice %arg7[%add3A_63, %dma_start3A_64] : memref<320000x128xf32, #tpu.memory_space<hbm>> -> memref<80x128xf32, #tpu.memory_space<hbm>>
      %dma_start3A_66 = arith.constant 0 : i32
      %dma_start3A_67 = tpu.memref_slice %arg7[%add3A_63, %dma_start3A_66] : memref<320000x128xf32, #tpu.memory_space<hbm>> -> memref<80x128xf32, #tpu.memory_space<hbm>>
      tpu.enqueue_dma source(%arg12 : memref<80x128xf32, #tpu.memory_space<vmem>>) target(%dma_start3A_67 : memref<80x128xf32, #tpu.memory_space<hbm>>) target_semaphore(%run_scoped3A : memref<!tpu.dma_semaphore, #tpu.memory_space<semaphore_mem>>)
      %dma_wait3A_68 = arith.constant 0 : i32
      %dma_wait3A_69 = tpu.memref_slice %arg7[%add3A_63, %dma_wait3A_68] : memref<320000x128xf32, #tpu.memory_space<hbm>> -> memref<80x128xf32, #tpu.memory_space<hbm>>
      %dma_wait3A_70 = arith.constant 0 : i32
      %dma_wait3A_71 = tpu.memref_slice %arg7[%add3A_63, %dma_wait3A_70] : memref<320000x128xf32, #tpu.memory_space<hbm>> -> memref<80x128xf32, #tpu.memory_space<hbm>>
      tpu.wait_dma2 semaphore(%run_scoped3A : memref<!tpu.dma_semaphore, #tpu.memory_space<semaphore_mem>>) src(%arg12 : memref<80x128xf32, #tpu.memory_space<vmem>>) dst(%dma_wait3A_71 : memref<80x128xf32, #tpu.memory_space<hbm>>)
      tpu.yield
    }) : () -> ()
    return
  }
}

module attributes {stable_mosaic.version = 14 : i64} {
  func.func @_precomp_body(%arg0: i32, %arg1: memref<2000x128xf32, #tpu.memory_space<vmem>>, %arg2: memref<128x128xf32, #tpu.memory_space<vmem>>, %arg3: memref<128x128xf32, #tpu.memory_space<vmem>>, %arg4: memref<2000x128xf32, #tpu.memory_space<vmem>>, %arg5: memref<2000x128xf32, #tpu.memory_space<vmem>>) attributes {dimension_semantics = [#tpu.dimension_semantics<arbitrary>], iteration_bounds = array<i64: 5>, scalar_prefetch = 0 : i64, scratch_operands = 0 : i64, tpu.core_type = #tpu.core_type<tc>, window_params = [{transform_indices = @transform_0, window_bounds = array<i64: 2000, 128>}, {pipeline_mode = #tpu.pipeline_mode<synchronous>, transform_indices = @transform_1, window_bounds = array<i64: 128, 128>}, {pipeline_mode = #tpu.pipeline_mode<synchronous>, transform_indices = @transform_2, window_bounds = array<i64: 128, 128>}, {transform_indices = @transform_3, window_bounds = array<i64: 2000, 128>}, {transform_indices = @transform_4, window_bounds = array<i64: 2000, 128>}]} {
    %get3A = arith.constant 0 : index
    %get3A_0 = arith.constant 0 : index
    %get3A_1 = vector.load %arg1[%get3A, %get3A_0] : memref<2000x128xf32, #tpu.memory_space<vmem>>, vector<2000x128xf32>
    %get3A_2 = arith.constant 0 : index
    %get3A_3 = arith.constant 0 : index
    %get3A_4 = vector.load %arg2[%get3A_2, %get3A_3] : memref<128x128xf32, #tpu.memory_space<vmem>>, vector<128x128xf32>
    %dot_general3A = arith.constant dense<0.000000e+00> : vector<2000x128xf32>
    %dot_general3A_5 = tpu.matmul %get3A_1, %get3A_4, %dot_general3A {dimension_numbers = #tpu.dot_dimension_numbers<[1], [0], [0], [1], [0, 0, 1, 1], [], []>, transpose_lhs_hint = false} : vector<2000x128xf32>, vector<128x128xf32>, vector<2000x128xf32> -> vector<2000x128xf32>
    %swap3A = arith.constant 0 : index
    %swap3A_6 = arith.constant 0 : index
    %swap3A_7 = vector.load %arg4[%swap3A, %swap3A_6] : memref<2000x128xf32, #tpu.memory_space<vmem>>, vector<2000x128xf32>
    tpu.vector_store %arg4[%swap3A, %swap3A_6], %dot_general3A_5 {strides = array<i32>} : memref<2000x128xf32, #tpu.memory_space<vmem>>, vector<2000x128xf32>,
    %get3A_8 = arith.constant 0 : index
    %get3A_9 = arith.constant 0 : index
    %get3A_10 = vector.load %arg3[%get3A_8, %get3A_9] : memref<128x128xf32, #tpu.memory_space<vmem>>, vector<128x128xf32>
    %dot_general3A_11 = arith.constant dense<0.000000e+00> : vector<2000x128xf32>
    %dot_general3A_12 = tpu.matmul %get3A_1, %get3A_10, %dot_general3A_11 {dimension_numbers = #tpu.dot_dimension_numbers<[1], [0], [0], [1], [0, 0, 1, 1], [], []>, transpose_lhs_hint = false} : vector<2000x128xf32>, vector<128x128xf32>, vector<2000x128xf32> -> vector<2000x128xf32>
    %swap3A_13 = arith.constant 0 : index
    %swap3A_14 = arith.constant 0 : index
    %swap3A_15 = vector.load %arg5[%swap3A_13, %swap3A_14] : memref<2000x128xf32, #tpu.memory_space<vmem>>, vector<2000x128xf32>
    tpu.vector_store %arg5[%swap3A_13, %swap3A_14], %dot_general3A_12 {strides = array<i32>} : memref<2000x128xf32, #tpu.memory_space<vmem>>, vector<2000x128xf32>,
    return
  }
  func.func @transform_0(%arg0: i32) -> (i32, i32) {
    %c0_i32 = arith.constant 0 : i32
    %c0_i32_0 = arith.constant 0 : i32
    return %arg0, %c0_i32 : i32, i32
  }
  func.func @transform_1(%arg0: i32) -> (i32, i32) {
    %c0_i32 = arith.constant 0 : i32
    %c0_i32_0 = arith.constant 0 : i32
    %c0_i32_1 = arith.constant 0 : i32
    return %c0_i32, %c0_i32_0 : i32, i32
  }
  func.func @transform_2(%arg0: i32) -> (i32, i32) {
    %c0_i32 = arith.constant 0 : i32
    %c0_i32_0 = arith.constant 0 : i32
    %c0_i32_1 = arith.constant 0 : i32
    return %c0_i32, %c0_i32_0 : i32, i32
  }
  func.func @transform_3(%arg0: i32) -> (i32, i32) {
    %c0_i32 = arith.constant 0 : i32
    %c0_i32_0 = arith.constant 0 : i32
    return %arg0, %c0_i32 : i32, i32
  }
  func.func @transform_4(%arg0: i32) -> (i32, i32) {
    %c0_i32 = arith.constant 0 : i32
    %c0_i32_0 = arith.constant 0 : i32
    return %arg0, %c0_i32 : i32, i32
  }
}

module attributes {stable_mosaic.version = 14 : i64} {
  func.func @_edge_mlp_body(%arg0: i32, %arg1: memref<2560x128xf32, #tpu.memory_space<vmem>>, %arg2: memref<2560x128xf32, #tpu.memory_space<vmem>>, %arg3: memref<2560x16xf32, #tpu.memory_space<vmem>>, %arg4: memref<16x128xf32, #tpu.memory_space<vmem>>, %arg5: memref<1x128xf32, #tpu.memory_space<vmem>>, %arg6: memref<128x128xf32, #tpu.memory_space<vmem>>, %arg7: memref<1x128xf32, #tpu.memory_space<vmem>>, %arg8: memref<128x128xf32, #tpu.memory_space<vmem>>, %arg9: memref<1x128xf32, #tpu.memory_space<vmem>>, %arg10: memref<2560x128xf32, #tpu.memory_space<vmem>>) attributes {dimension_semantics = [#tpu.dimension_semantics<arbitrary>], iteration_bounds = array<i64: 125>, scalar_prefetch = 0 : i64, scratch_operands = 0 : i64, tpu.core_type = #tpu.core_type<tc>, window_params = [{transform_indices = @transform_0, window_bounds = array<i64: 2560, 128>}, {transform_indices = @transform_1, window_bounds = array<i64: 2560, 128>}, {transform_indices = @transform_2, window_bounds = array<i64: 2560, 16>}, {pipeline_mode = #tpu.pipeline_mode<synchronous>, transform_indices = @transform_3, window_bounds = array<i64: 16, 128>}, {pipeline_mode = #tpu.pipeline_mode<synchronous>, transform_indices = @transform_4, window_bounds = array<i64: 1, 128>}, {pipeline_mode = #tpu.pipeline_mode<synchronous>, transform_indices = @transform_5, window_bounds = array<i64: 128, 128>}, {pipeline_mode = #tpu.pipeline_mode<synchronous>, transform_indices = @transform_6, window_bounds = array<i64: 1, 128>}, {pipeline_mode = #tpu.pipeline_mode<synchronous>, transform_indices = @transform_7, window_bounds = array<i64: 128, 128>}, {pipeline_mode = #tpu.pipeline_mode<synchronous>, transform_indices = @transform_8, window_bounds = array<i64: 1, 128>}, {transform_indices = @transform_9, window_bounds = array<i64: 2560, 128>}]} {
    %get3A = arith.constant 0 : index
    %get3A_0 = arith.constant 0 : index
    %get3A_1 = vector.load %arg1[%get3A, %get3A_0] : memref<2560x128xf32, #tpu.memory_space<vmem>>, vector<2560x128xf32>
    %get3A_2 = arith.constant 0 : index
    %get3A_3 = arith.constant 0 : index
    %get3A_4 = vector.load %arg2[%get3A_2, %get3A_3] : memref<2560x128xf32, #tpu.memory_space<vmem>>, vector<2560x128xf32>
    %add3A = arith.addf %get3A_1, %get3A_4 : vector<2560x128xf32>
    %get3A_5 = arith.constant 0 : index
    %get3A_6 = arith.constant 0 : index
    %get3A_7 = vector.load %arg3[%get3A_5, %get3A_6] : memref<2560x16xf32, #tpu.memory_space<vmem>>, vector<2560x16xf32>
    %get3A_8 = arith.constant 0 : index
    %get3A_9 = arith.constant 0 : index
    %get3A_10 = vector.load %arg4[%get3A_8, %get3A_9] : memref<16x128xf32, #tpu.memory_space<vmem>>, vector<16x128xf32>
    %dot_general3A = arith.constant dense<0.000000e+00> : vector<2560x128xf32>
    %dot_general3A_11 = tpu.matmul %get3A_7, %get3A_10, %dot_general3A {dimension_numbers = #tpu.dot_dimension_numbers<[1], [0], [0], [1], [0, 0, 1, 1], [], []>, transpose_lhs_hint = false} : vector<2560x16xf32>, vector<16x128xf32>, vector<2560x128xf32> -> vector<2560x128xf32>
    %add3A_12 = arith.addf %add3A, %dot_general3A_11 : vector<2560x128xf32>
    %get3A_13 = arith.constant 0 : index
    %get3A_14 = arith.constant 0 : index
    %get3A_15 = vector.load %arg5[%get3A_13, %get3A_14] : memref<1x128xf32, #tpu.memory_space<vmem>>, vector<1x128xf32>
    %add3A_16 = vector.broadcast %get3A_15 : vector<1x128xf32> to vector<2560x128xf32>
    %add3A_17 = arith.addf %add3A_12, %add3A_16 : vector<2560x128xf32>
    %abs3A = math.absf %add3A_17 : vector<2560x128xf32>
    %mul3A = arith.constant -1.44269502 : f32
    %mul3A_18 = vector.broadcast %mul3A : f32 to vector<2560x128xf32>
    %mul3A_19 = arith.mulf %abs3A, %mul3A_18 : vector<2560x128xf32>
    %exp23A = math.exp2 %mul3A_19 : vector<2560x128xf32>
    %max3A = arith.constant 0.000000e+00 : f32
    %max3A_20 = vector.broadcast %max3A : f32 to vector<2560x128xf32>
    %max3A_21 = arith.maximumf %add3A_17, %max3A_20 : vector<2560x128xf32>
    %add3A_22 = arith.constant 1.000000e+00 : f32
    %add3A_23 = vector.broadcast %add3A_22 : f32 to vector<2560x128xf32>
    %add3A_24 = arith.addf %add3A_23, %exp23A : vector<2560x128xf32>
    %log3A = math.log %add3A_24 : vector<2560x128xf32>
    %log3A_25 = arith.constant 2.000000e+00 : f32
    %log3A_26 = math.log %log3A_25 : f32
    %div3A = vector.broadcast %log3A_26 : f32 to vector<2560x128xf32>
    %div3A_27 = arith.divf %log3A, %div3A : vector<2560x128xf32>
    %mul3A_28 = arith.constant 0.693147182 : f32
    %mul3A_29 = vector.broadcast %mul3A_28 : f32 to vector<2560x128xf32>
    %mul3A_30 = arith.mulf %div3A_27, %mul3A_29 : vector<2560x128xf32>
    %add3A_31 = arith.addf %max3A_21, %mul3A_30 : vector<2560x128xf32>
    %get3A_32 = arith.constant 0 : index
    %get3A_33 = arith.constant 0 : index
    %get3A_34 = vector.load %arg6[%get3A_32, %get3A_33] : memref<128x128xf32, #tpu.memory_space<vmem>>, vector<128x128xf32>
    %dot_general3A_35 = arith.constant dense<0.000000e+00> : vector<2560x128xf32>
    %dot_general3A_36 = tpu.matmul %add3A_31, %get3A_34, %dot_general3A_35 {dimension_numbers = #tpu.dot_dimension_numbers<[1], [0], [0], [1], [0, 0, 1, 1], [], []>, transpose_lhs_hint = false} : vector<2560x128xf32>, vector<128x128xf32>, vector<2560x128xf32> -> vector<2560x128xf32>
    %get3A_37 = arith.constant 0 : index
    %get3A_38 = arith.constant 0 : index
    %get3A_39 = vector.load %arg7[%get3A_37, %get3A_38] : memref<1x128xf32, #tpu.memory_space<vmem>>, vector<1x128xf32>
    %add3A_40 = vector.broadcast %get3A_39 : vector<1x128xf32> to vector<2560x128xf32>
    %add3A_41 = arith.addf %dot_general3A_36, %add3A_40 : vector<2560x128xf32>
    %abs3A_42 = math.absf %add3A_41 : vector<2560x128xf32>
    %mul3A_43 = arith.constant -1.44269502 : f32
    %mul3A_44 = vector.broadcast %mul3A_43 : f32 to vector<2560x128xf32>
    %mul3A_45 = arith.mulf %abs3A_42, %mul3A_44 : vector<2560x128xf32>
    %exp23A_46 = math.exp2 %mul3A_45 : vector<2560x128xf32>
    %max3A_47 = arith.constant 0.000000e+00 : f32
    %max3A_48 = vector.broadcast %max3A_47 : f32 to vector<2560x128xf32>
    %max3A_49 = arith.maximumf %add3A_41, %max3A_48 : vector<2560x128xf32>
    %add3A_50 = arith.constant 1.000000e+00 : f32
    %add3A_51 = vector.broadcast %add3A_50 : f32 to vector<2560x128xf32>
    %add3A_52 = arith.addf %add3A_51, %exp23A_46 : vector<2560x128xf32>
    %log3A_53 = math.log %add3A_52 : vector<2560x128xf32>
    %log3A_54 = arith.constant 2.000000e+00 : f32
    %log3A_55 = math.log %log3A_54 : f32
    %div3A_56 = vector.broadcast %log3A_55 : f32 to vector<2560x128xf32>
    %div3A_57 = arith.divf %log3A_53, %div3A_56 : vector<2560x128xf32>
    %mul3A_58 = arith.constant 0.693147182 : f32
    %mul3A_59 = vector.broadcast %mul3A_58 : f32 to vector<2560x128xf32>
    %mul3A_60 = arith.mulf %div3A_57, %mul3A_59 : vector<2560x128xf32>
    %add3A_61 = arith.addf %max3A_49, %mul3A_60 : vector<2560x128xf32>
    %get3A_62 = arith.constant 0 : index
    %get3A_63 = arith.constant 0 : index
    %get3A_64 = vector.load %arg8[%get3A_62, %get3A_63] : memref<128x128xf32, #tpu.memory_space<vmem>>, vector<128x128xf32>
    %dot_general3A_65 = arith.constant dense<0.000000e+00> : vector<2560x128xf32>
    %dot_general3A_66 = tpu.matmul %add3A_61, %get3A_64, %dot_general3A_65 {dimension_numbers = #tpu.dot_dimension_numbers<[1], [0], [0], [1], [0, 0, 1, 1], [], []>, transpose_lhs_hint = false} : vector<2560x128xf32>, vector<128x128xf32>, vector<2560x128xf32> -> vector<2560x128xf32>
    %get3A_67 = arith.constant 0 : index
    %get3A_68 = arith.constant 0 : index
    %get3A_69 = vector.load %arg9[%get3A_67, %get3A_68] : memref<1x128xf32, #tpu.memory_space<vmem>>, vector<1x128xf32>
    %add3A_70 = vector.broadcast %get3A_69 : vector<1x128xf32> to vector<2560x128xf32>
    %add3A_71 = arith.addf %dot_general3A_66, %add3A_70 : vector<2560x128xf32>
    %swap3A = arith.constant 0 : index
    %swap3A_72 = arith.constant 0 : index
    %swap3A_73 = vector.load %arg10[%swap3A, %swap3A_72] : memref<2560x128xf32, #tpu.memory_space<vmem>>, vector<2560x128xf32>
    tpu.vector_store %arg10[%swap3A, %swap3A_72], %add3A_71 {strides = array<i32>} : memref<2560x128xf32, #tpu.memory_space<vmem>>, vector<2560x128xf32>,
    return
  }
  func.func @transform_0(%arg0: i32) -> (i32, i32) {
    %c0_i32 = arith.constant 0 : i32
    %c0_i32_0 = arith.constant 0 : i32
    return %arg0, %c0_i32 : i32, i32
  }
  func.func @transform_1(%arg0: i32) -> (i32, i32) {
    %c0_i32 = arith.constant 0 : i32
    %c0_i32_0 = arith.constant 0 : i32
    return %arg0, %c0_i32 : i32, i32
  }
  func.func @transform_2(%arg0: i32) -> (i32, i32) {
    %c0_i32 = arith.constant 0 : i32
    %c0_i32_0 = arith.constant 0 : i32
    return %arg0, %c0_i32 : i32, i32
  }
  func.func @transform_3(%arg0: i32) -> (i32, i32) {
    %c0_i32 = arith.constant 0 : i32
    %c0_i32_0 = arith.constant 0 : i32
    %c0_i32_1 = arith.constant 0 : i32
    return %c0_i32, %c0_i32_0 : i32, i32
  }
  func.func @transform_4(%arg0: i32) -> (i32, i32) {
    %c0_i32 = arith.constant 0 : i32
    %c0_i32_0 = arith.constant 0 : i32
    %c0_i32_1 = arith.constant 0 : i32
    return %c0_i32, %c0_i32_0 : i32, i32
  }
  func.func @transform_5(%arg0: i32) -> (i32, i32) {
    %c0_i32 = arith.constant 0 : i32
    %c0_i32_0 = arith.constant 0 : i32
    %c0_i32_1 = arith.constant 0 : i32
    return %c0_i32, %c0_i32_0 : i32, i32
  }
  func.func @transform_6(%arg0: i32) -> (i32, i32) {
    %c0_i32 = arith.constant 0 : i32
    %c0_i32_0 = arith.constant 0 : i32
    %c0_i32_1 = arith.constant 0 : i32
    return %c0_i32, %c0_i32_0 : i32, i32
  }
  func.func @transform_7(%arg0: i32) -> (i32, i32) {
    %c0_i32 = arith.constant 0 : i32
    %c0_i32_0 = arith.constant 0 : i32
    %c0_i32_1 = arith.constant 0 : i32
    return %c0_i32, %c0_i32_0 : i32, i32
  }
  func.func @transform_8(%arg0: i32) -> (i32, i32) {
    %c0_i32 = arith.constant 0 : i32
    %c0_i32_0 = arith.constant 0 : i32
    %c0_i32_1 = arith.constant 0 : i32
    return %c0_i32, %c0_i32_0 : i32, i32
  }
  func.func @transform_9(%arg0: i32) -> (i32, i32) {
    %c0_i32 = arith.constant 0 : i32
    %c0_i32_0 = arith.constant 0 : i32
    return %arg0, %c0_i32 : i32, i32
  }
}

module attributes {stable_mosaic.version = 14 : i64} {
  func.func @_node_mlp_body(%arg0: i32, %arg1: memref<2000x128xf32, #tpu.memory_space<vmem>>, %arg2: memref<2x2000x128xf32, #tpu.memory_space<vmem>>, %arg3: memref<128x128xf32, #tpu.memory_space<vmem>>, %arg4: memref<128x128xf32, #tpu.memory_space<vmem>>, %arg5: memref<1x128xf32, #tpu.memory_space<vmem>>, %arg6: memref<128x128xf32, #tpu.memory_space<vmem>>, %arg7: memref<1x128xf32, #tpu.memory_space<vmem>>, %arg8: memref<128x128xf32, #tpu.memory_space<vmem>>, %arg9: memref<1x128xf32, #tpu.memory_space<vmem>>, %arg10: memref<2000x128xf32, #tpu.memory_space<vmem>>) attributes {dimension_semantics = [#tpu.dimension_semantics<arbitrary>], iteration_bounds = array<i64: 5>, scalar_prefetch = 0 : i64, scratch_operands = 0 : i64, tpu.core_type = #tpu.core_type<tc>, window_params = [{transform_indices = @transform_0, window_bounds = array<i64: 2000, 128>}, {transform_indices = @transform_1, window_bounds = array<i64: 2, 2000, 128>}, {pipeline_mode = #tpu.pipeline_mode<synchronous>, transform_indices = @transform_2, window_bounds = array<i64: 128, 128>}, {pipeline_mode = #tpu.pipeline_mode<synchronous>, transform_indices = @transform_3, window_bounds = array<i64: 128, 128>}, {pipeline_mode = #tpu.pipeline_mode<synchronous>, transform_indices = @transform_4, window_bounds = array<i64: 1, 128>}, {pipeline_mode = #tpu.pipeline_mode<synchronous>, transform_indices = @transform_5, window_bounds = array<i64: 128, 128>}, {pipeline_mode = #tpu.pipeline_mode<synchronous>, transform_indices = @transform_6, window_bounds = array<i64: 1, 128>}, {pipeline_mode = #tpu.pipeline_mode<synchronous>, transform_indices = @transform_7, window_bounds = array<i64: 128, 128>}, {pipeline_mode = #tpu.pipeline_mode<synchronous>, transform_indices = @transform_8, window_bounds = array<i64: 1, 128>}, {transform_indices = @transform_9, window_bounds = array<i64: 2000, 128>}]} {
    %get3A = arith.constant 0 : index
    %get3A_0 = arith.constant 0 : index
    %get3A_1 = arith.constant 0 : index
    %get3A_2 = vector.load %arg2[%get3A, %get3A_0, %get3A_1] : memref<2x2000x128xf32, #tpu.memory_space<vmem>>, vector<1x2000x128xf32>
    %get3A_3 = vector.shape_cast %get3A_2 : vector<1x2000x128xf32> to vector<2000x128xf32>
    %get3A_4 = arith.constant 1 : index
    %get3A_5 = arith.constant 0 : index
    %get3A_6 = arith.constant 0 : index
    %get3A_7 = vector.load %arg2[%get3A_4, %get3A_5, %get3A_6] : memref<2x2000x128xf32, #tpu.memory_space<vmem>>, vector<1x2000x128xf32>
    %get3A_8 = vector.shape_cast %get3A_7 : vector<1x2000x128xf32> to vector<2000x128xf32>
    %add3A = arith.addf %get3A_3, %get3A_8 : vector<2000x128xf32>
    %get3A_9 = arith.constant 0 : index
    %get3A_10 = arith.constant 0 : index
    %get3A_11 = vector.load %arg1[%get3A_9, %get3A_10] : memref<2000x128xf32, #tpu.memory_space<vmem>>, vector<2000x128xf32>
    %get3A_12 = arith.constant 0 : index
    %get3A_13 = arith.constant 0 : index
    %get3A_14 = vector.load %arg3[%get3A_12, %get3A_13] : memref<128x128xf32, #tpu.memory_space<vmem>>, vector<128x128xf32>
    %dot_general3A = arith.constant dense<0.000000e+00> : vector<2000x128xf32>
    %dot_general3A_15 = tpu.matmul %get3A_11, %get3A_14, %dot_general3A {dimension_numbers = #tpu.dot_dimension_numbers<[1], [0], [0], [1], [0, 0, 1, 1], [], []>, transpose_lhs_hint = false} : vector<2000x128xf32>, vector<128x128xf32>, vector<2000x128xf32> -> vector<2000x128xf32>
    %get3A_16 = arith.constant 0 : index
    %get3A_17 = arith.constant 0 : index
    %get3A_18 = vector.load %arg4[%get3A_16, %get3A_17] : memref<128x128xf32, #tpu.memory_space<vmem>>, vector<128x128xf32>
    %dot_general3A_19 = arith.constant dense<0.000000e+00> : vector<2000x128xf32>
    %dot_general3A_20 = tpu.matmul %add3A, %get3A_18, %dot_general3A_19 {dimension_numbers = #tpu.dot_dimension_numbers<[1], [0], [0], [1], [0, 0, 1, 1], [], []>, transpose_lhs_hint = false} : vector<2000x128xf32>, vector<128x128xf32>, vector<2000x128xf32> -> vector<2000x128xf32>
    %add3A_21 = arith.addf %dot_general3A_15, %dot_general3A_20 : vector<2000x128xf32>
    %get3A_22 = arith.constant 0 : index
    %get3A_23 = arith.constant 0 : index
    %get3A_24 = vector.load %arg5[%get3A_22, %get3A_23] : memref<1x128xf32, #tpu.memory_space<vmem>>, vector<1x128xf32>
    %add3A_25 = vector.broadcast %get3A_24 : vector<1x128xf32> to vector<2000x128xf32>
    %add3A_26 = arith.addf %add3A_21, %add3A_25 : vector<2000x128xf32>
    %abs3A = math.absf %add3A_26 : vector<2000x128xf32>
    %mul3A = arith.constant -1.44269502 : f32
    %mul3A_27 = vector.broadcast %mul3A : f32 to vector<2000x128xf32>
    %mul3A_28 = arith.mulf %abs3A, %mul3A_27 : vector<2000x128xf32>
    %exp23A = math.exp2 %mul3A_28 : vector<2000x128xf32>
    %max3A = arith.constant 0.000000e+00 : f32
    %max3A_29 = vector.broadcast %max3A : f32 to vector<2000x128xf32>
    %max3A_30 = arith.maximumf %add3A_26, %max3A_29 : vector<2000x128xf32>
    %add3A_31 = arith.constant 1.000000e+00 : f32
    %add3A_32 = vector.broadcast %add3A_31 : f32 to vector<2000x128xf32>
    %add3A_33 = arith.addf %add3A_32, %exp23A : vector<2000x128xf32>
    %log3A = math.log %add3A_33 : vector<2000x128xf32>
    %log3A_34 = arith.constant 2.000000e+00 : f32
    %log3A_35 = math.log %log3A_34 : f32
    %div3A = vector.broadcast %log3A_35 : f32 to vector<2000x128xf32>
    %div3A_36 = arith.divf %log3A, %div3A : vector<2000x128xf32>
    %mul3A_37 = arith.constant 0.693147182 : f32
    %mul3A_38 = vector.broadcast %mul3A_37 : f32 to vector<2000x128xf32>
    %mul3A_39 = arith.mulf %div3A_36, %mul3A_38 : vector<2000x128xf32>
    %add3A_40 = arith.addf %max3A_30, %mul3A_39 : vector<2000x128xf32>
    %get3A_41 = arith.constant 0 : index
    %get3A_42 = arith.constant 0 : index
    %get3A_43 = vector.load %arg6[%get3A_41, %get3A_42] : memref<128x128xf32, #tpu.memory_space<vmem>>, vector<128x128xf32>
    %dot_general3A_44 = arith.constant dense<0.000000e+00> : vector<2000x128xf32>
    %dot_general3A_45 = tpu.matmul %add3A_40, %get3A_43, %dot_general3A_44 {dimension_numbers = #tpu.dot_dimension_numbers<[1], [0], [0], [1], [0, 0, 1, 1], [], []>, transpose_lhs_hint = false} : vector<2000x128xf32>, vector<128x128xf32>, vector<2000x128xf32> -> vector<2000x128xf32>
    %get3A_46 = arith.constant 0 : index
    %get3A_47 = arith.constant 0 : index
    %get3A_48 = vector.load %arg7[%get3A_46, %get3A_47] : memref<1x128xf32, #tpu.memory_space<vmem>>, vector<1x128xf32>
    %add3A_49 = vector.broadcast %get3A_48 : vector<1x128xf32> to vector<2000x128xf32>
    %add3A_50 = arith.addf %dot_general3A_45, %add3A_49 : vector<2000x128xf32>
    %abs3A_51 = math.absf %add3A_50 : vector<2000x128xf32>
    %mul3A_52 = arith.constant -1.44269502 : f32
    %mul3A_53 = vector.broadcast %mul3A_52 : f32 to vector<2000x128xf32>
    %mul3A_54 = arith.mulf %abs3A_51, %mul3A_53 : vector<2000x128xf32>
    %exp23A_55 = math.exp2 %mul3A_54 : vector<2000x128xf32>
    %max3A_56 = arith.constant 0.000000e+00 : f32
    %max3A_57 = vector.broadcast %max3A_56 : f32 to vector<2000x128xf32>
    %max3A_58 = arith.maximumf %add3A_50, %max3A_57 : vector<2000x128xf32>
    %add3A_59 = arith.constant 1.000000e+00 : f32
    %add3A_60 = vector.broadcast %add3A_59 : f32 to vector<2000x128xf32>
    %add3A_61 = arith.addf %add3A_60, %exp23A_55 : vector<2000x128xf32>
    %log3A_62 = math.log %add3A_61 : vector<2000x128xf32>
    %log3A_63 = arith.constant 2.000000e+00 : f32
    %log3A_64 = math.log %log3A_63 : f32
    %div3A_65 = vector.broadcast %log3A_64 : f32 to vector<2000x128xf32>
    %div3A_66 = arith.divf %log3A_62, %div3A_65 : vector<2000x128xf32>
    %mul3A_67 = arith.constant 0.693147182 : f32
    %mul3A_68 = vector.broadcast %mul3A_67 : f32 to vector<2000x128xf32>
    %mul3A_69 = arith.mulf %div3A_66, %mul3A_68 : vector<2000x128xf32>
    %add3A_70 = arith.addf %max3A_58, %mul3A_69 : vector<2000x128xf32>
    %get3A_71 = arith.constant 0 : index
    %get3A_72 = arith.constant 0 : index
    %get3A_73 = vector.load %arg8[%get3A_71, %get3A_72] : memref<128x128xf32, #tpu.memory_space<vmem>>, vector<128x128xf32>
    %dot_general3A_74 = arith.constant dense<0.000000e+00> : vector<2000x128xf32>
    %dot_general3A_75 = tpu.matmul %add3A_70, %get3A_73, %dot_general3A_74 {dimension_numbers = #tpu.dot_dimension_numbers<[1], [0], [0], [1], [0, 0, 1, 1], [], []>, transpose_lhs_hint = false} : vector<2000x128xf32>, vector<128x128xf32>, vector<2000x128xf32> -> vector<2000x128xf32>
    %get3A_76 = arith.constant 0 : index
    %get3A_77 = arith.constant 0 : index
    %get3A_78 = vector.load %arg9[%get3A_76, %get3A_77] : memref<1x128xf32, #tpu.memory_space<vmem>>, vector<1x128xf32>
    %add3A_79 = vector.broadcast %get3A_78 : vector<1x128xf32> to vector<2000x128xf32>
    %add3A_80 = arith.addf %dot_general3A_75, %add3A_79 : vector<2000x128xf32>
    %swap3A = arith.constant 0 : index
    %swap3A_81 = arith.constant 0 : index
    %swap3A_82 = vector.load %arg10[%swap3A, %swap3A_81] : memref<2000x128xf32, #tpu.memory_space<vmem>>, vector<2000x128xf32>
    tpu.vector_store %arg10[%swap3A, %swap3A_81], %add3A_80 {strides = array<i32>} : memref<2000x128xf32, #tpu.memory_space<vmem>>, vector<2000x128xf32>,
    return
  }
  func.func @transform_0(%arg0: i32) -> (i32, i32) {
    %c0_i32 = arith.constant 0 : i32
    %c0_i32_0 = arith.constant 0 : i32
    return %arg0, %c0_i32 : i32, i32
  }
  func.func @transform_1(%arg0: i32) -> (i32, i32, i32) {
    %c0_i32 = arith.constant 0 : i32
    %c0_i32_0 = arith.constant 0 : i32
    %c0_i32_1 = arith.constant 0 : i32
    return %c0_i32, %arg0, %c0_i32_0 : i32, i32, i32
  }
  func.func @transform_2(%arg0: i32) -> (i32, i32) {
    %c0_i32 = arith.constant 0 : i32
    %c0_i32_0 = arith.constant 0 : i32
    %c0_i32_1 = arith.constant 0 : i32
    return %c0_i32, %c0_i32_0 : i32, i32
  }
  func.func @transform_3(%arg0: i32) -> (i32, i32) {
    %c0_i32 = arith.constant 0 : i32
    %c0_i32_0 = arith.constant 0 : i32
    %c0_i32_1 = arith.constant 0 : i32
    return %c0_i32, %c0_i32_0 : i32, i32
  }
  func.func @transform_4(%arg0: i32) -> (i32, i32) {
    %c0_i32 = arith.constant 0 : i32
    %c0_i32_0 = arith.constant 0 : i32
    %c0_i32_1 = arith.constant 0 : i32
    return %c0_i32, %c0_i32_0 : i32, i32
  }
  func.func @transform_5(%arg0: i32) -> (i32, i32) {
    %c0_i32 = arith.constant 0 : i32
    %c0_i32_0 = arith.constant 0 : i32
    %c0_i32_1 = arith.constant 0 : i32
    return %c0_i32, %c0_i32_0 : i32, i32
  }
  func.func @transform_6(%arg0: i32) -> (i32, i32) {
    %c0_i32 = arith.constant 0 : i32
    %c0_i32_0 = arith.constant 0 : i32
    %c0_i32_1 = arith.constant 0 : i32
    return %c0_i32, %c0_i32_0 : i32, i32
  }
  func.func @transform_7(%arg0: i32) -> (i32, i32) {
    %c0_i32 = arith.constant 0 : i32
    %c0_i32_0 = arith.constant 0 : i32
    %c0_i32_1 = arith.constant 0 : i32
    return %c0_i32, %c0_i32_0 : i32, i32
  }
  func.func @transform_8(%arg0: i32) -> (i32, i32) {
    %c0_i32 = arith.constant 0 : i32
    %c0_i32_0 = arith.constant 0 : i32
    %c0_i32_1 = arith.constant 0 : i32
    return %c0_i32, %c0_i32_0 : i32, i32
  }
  func.func @transform_9(%arg0: i32) -> (i32, i32) {
    %c0_i32 = arith.constant 0 : i32
    %c0_i32_0 = arith.constant 0 : i32
    return %arg0, %c0_i32 : i32, i32
  }
}

</mosaic_0001>

<sc_bundles>
// kernel: kernel.10.cloned.1.call-start
scs
__scs_entry_jumppad:
0x0: {  	(pc) =	sbr.rel $0x88, $3  }
0x1: {  	(tag) =	ssettag $0x0;
	lr =	simm.s32 $0x1  }
0x2: {  	[smem:$0x3F92] =	sst lr;
	_ =	strace $0xD0000000  }
0x3: {  	_ = 	snop  }
0x4: {  	_ = 	snop  }
0x5: {  	_ = 	snop  }
0x6: {  	_ = 	snop  }
0x7: {  	_ = 	snop  }
__scs_overlays_trampoline_lowered:
0x8: {  	[smem:$0x3FA1] =	sst s0  }
0x9: {  	[smem:$0x3FA2] =	sst s1  }
0xa: {  	[smem:$0x3FA3] =	sst s2  }
0xb: {  	[smem:$0x3FA4] =	sst s3  }
0xc: {  	[smem:$0x3FA5] =	sst s4  }
0xd: {  	[smem:$0x3FA6] =	sst s5  }
0xe: {  	[smem:$0x3FA7] =	sst s6  }
0xf: {  	[smem:$0x3FA8] =	sst s7  }
0x10: {  	[smem:$0x3FA9] =	sst s8  }
0x11: {  	[smem:$0x3FAA] =	sst s9;
	s0 =	simm.s32 @!p0 $0x0  }
0x12: {  	s1 =	sld [smem:$0x3F90];
	s0 =	simm.s32 @p0 $0x1  }
0x13: {  	[smem:$0x3FAB] =	sst s0;
	s0 =	simm.s32 @!p1 $0x0  }
0x14: {  	s2 =	sld [smem:$0x3F8F];
	s0 =	simm.s32 @p1 $0x1  }
0x15: {  	[smem:$0x3FAC] =	sst s0;
	s0 =	simm.s32 @!p2 $0x0  }
0x16: {  	s3 =	sld [smem:$0x3FDB];
	s0 =	simm.s32 @p2 $0x1  }
0x17: {  	s4 =	simm.s32 $0x1BF5;
	[smem:$0x3FAE] =	sst s0  }
0x18: {  	s0 =	sld [smem:$0x3F91];
	_ =	swait.ge [sflag:s4], $0x0  }
0x19: {  	s7 =	sld [smem:$0x3F92]  }
0x1a: {  	s8 =	sadd.s32 $0xFFFFE003, lr  }
0x1b: {  	s9 =	sadd.s32 $0xFFFFFEF7, lr;
	s5 =	simm.s32 $0xFFFFFFFF;
	p2 =	slt.u32 s8, $0xFFFFF086  }
0x1c: {  	p1 =	slt.u32 s9, $0xF7A;
	s5 =	simm.s32 @!p2 $0x0  }
0x1d: {  	s5 =	simm.s32 @p1 $0x1;
	p0 =	seq.s32 s7, s2  }
0x1e: {  	s7 =	smul.u32 @!p0 $0xF7A, s2;
	p2 =	seq.s32 @!p0 s5, $0x0  }
0x1f: {  	s9 =	smul.u32 $0xF7A, s1;
	s8 =	simm.s32 @!p0 $0x1BF5;
	p2 =	por !p2, p0  }
0x20: {  	[sflag:s8] =	ssyncset.s32 @!p0 $0xFFFFF086;
	s6 =	sadd.s32 @!p0 s3, s7;
	s7 =	simm.s32 @!p0 $0x108  }
0x21: {  	s3 =	sadd.s32 s3, s9;
	s6 =	sadd.s32 @!p0 $0x88, s6;
	s7 =	simm.s32 @p2 $0x1082  }
0x22: {  	[simem:s7], [sflag:s8] =	dma.local @!p0 [hbm:s6], $0xF7A  }
0x23: {  	s9 =	sor.u32 $0xD0000000, s2;
	s6 =	simm.s32 $0x108;
	_ =	swait.ge @!p0 [sflag:s8], $0x0  }
0x24: {  	s3 =	sadd.s32 $0x88, s3;
	s6 =	simm.s32 @!p1 $0x1082;
	[sflag:s4] =	ssyncset.s32 $0xFFFFF086  }
0x25: {  	[simem:s6], [sflag:s4] =	dma.local [hbm:s3], $0xF7A  }
0x26: {  	[smem:$0x3F92] =	sst s1;
	(tag) =	ssettag s2;
	_ =	strace s9  }
0x27: {  	s1 =	sld [smem:$0x3FA2]  }
0x28: {  	s2 =	sld [smem:$0x3FA3]  }
0x29: {  	s4 =	sld [smem:$0x3FA5]  }
0x2a: {  	p0 =	seq.s32 s5, $0x0;
	s5 =	sld [smem:$0x3FA6]  }
0x2b: {  	s6 =	sld [smem:$0x3FA7]  }
0x2c: {  	s7 =	sld [smem:$0x3FA8]  }
0x2d: {  	s3 =	simm.s32 $0x108;
	s8 =	sld [smem:$0x3FA9]  }
0x2e: {  	s3 =	simm.s32 @!p0 $0x1082;
	s9 =	sld [smem:$0x3FAA]  }
0x2f: {  	lr =	sadd.s32 s0, s3;
	s0 =	sld [smem:$0x3FA1]  }
0x30: {  	s3 =	sld [smem:$0x3FA4]  }
0x31: {  	[smem:$0x3FAD] =	sst s10  }
0x32: {  	s10 =	sld [smem:$0x3FAB];
	_ =	sdelay $0x3  }
0x33: {  	p0 =	seq.s32 s10, $0x1;
	s10 =	sld [smem:$0x3FAD];
	_ =	sdelay $0x3  }
0x34: {  	[smem:$0x3FAD] =	sst s10  }
0x35: {  	s10 =	sld [smem:$0x3FAC];
	_ =	sdelay $0x3  }
0x36: {  	p1 =	seq.s32 s10, $0x1;
	s10 =	sld [smem:$0x3FAD];
	_ =	sdelay $0x3  }
0x37: {  	[smem:$0x3FAD] =	sst s10  }
0x38: {  	s10 =	sld [smem:$0x3FAE]  }
0x39: {  	_ = 	snop;
	(pc) =	sbr.ind lr, $3  }
0x3a: {  	_ = 	snop  }
0x3b: {  	_ = 	snop  }
0x3c: {  	p2 =	seq.s32 s10, $0x1;
	s10 =	sld [smem:$0x3FAD]  }
0x3d: {  	_ =	shalt  }
0x3e: {  	_ =	shalt  }
0x3f: {  	_ =	shalt  }
0x40: {  	_ =	shalt  }
0x41: {  	_ =	shalt  }
0x42: {  	_ =	shalt  }
0x43: {  	_ =	shalt  }
0x44: {  	_ =	shalt  }
0x45: {  	_ =	shalt  }
0x46: {  	_ =	shalt  }
0x47: {  	_ =	shalt  }
0x48: {  	_ =	shalt  }
0x49: {  	_ =	shalt  }
0x4a: {  	_ =	shalt  }
0x4b: {  	_ =	shalt  }
0x4c: {  	_ =	shalt  }
0x4d: {  	_ =	shalt  }
0x4e: {  	_ =	shalt  }
0x4f: {  	_ =	shalt  }
0x50: {  	_ =	shalt  }
0x51: {  	_ =	shalt  }
0x52: {  	_ =	shalt  }
0x53: {  	_ =	shalt  }
0x54: {  	_ =	shalt  }
0x55: {  	_ =	shalt  }
0x56: {  	_ =	shalt  }
0x57: {  	_ =	shalt  }
0x58: {  	_ =	shalt  }
0x59: {  	_ =	shalt  }
0x5a: {  	_ =	shalt  }
0x5b: {  	_ =	shalt  }
0x5c: {  	_ =	shalt  }
0x5d: {  	_ =	shalt  }
0x5e: {  	_ =	shalt  }
0x5f: {  	_ =	shalt  }
0x60: {  	_ =	shalt  }
0x61: {  	_ =	shalt  }
0x62: {  	_ =	shalt  }
0x63: {  	_ =	shalt  }
0x64: {  	_ =	shalt  }
0x65: {  	_ =	shalt  }
0x66: {  	_ =	shalt  }
0x67: {  	_ =	shalt  }
0x68: {  	_ =	shalt  }
0x69: {  	_ =	shalt  }
0x6a: {  	_ =	shalt  }
0x6b: {  	_ =	shalt  }
0x6c: {  	_ =	shalt  }
0x6d: {  	_ =	shalt  }
0x6e: {  	_ =	shalt  }
0x6f: {  	_ =	shalt  }
0x70: {  	_ =	shalt  }
0x71: {  	_ =	shalt  }
0x72: {  	_ =	shalt  }
0x73: {  	_ =	shalt  }
0x74: {  	_ =	shalt  }
0x75: {  	_ =	shalt  }
0x76: {  	_ =	shalt  }
0x77: {  	_ =	shalt  }
0x78: {  	_ =	shalt  }
0x79: {  	_ =	shalt  }
0x7a: {  	_ =	shalt  }
0x7b: {  	_ =	shalt  }
0x7c: {  	_ =	shalt  }
0x7d: {  	_ =	shalt  }
0x7e: {  	_ =	shalt  }
0x7f: {  	_ =	shalt  }
0x80: {  	_ =	shalt  }
0x81: {  	_ =	shalt  }
0x82: {  	_ =	shalt  }
0x83: {  	_ =	shalt  }
0x84: {  	_ =	shalt  }
0x85: {  	_ =	shalt  }
0x86: {  	_ =	shalt  }
0x87: {  	_ =	shalt  }
.Lfunc_end0:
.L_simem_size_0:
called_computation.1_lowered:
.L_overlay_start_0:
0x88: {  	s2 =	sld [smem:$0x3FD9]  }
0x89: {  	s3 =	sld [smem:$0x3FFE];
	_ =	sdelay $0x1  }
0x8a: {  	s1 =	srdreg.scid  }
0x8b: {  	s0 =	sand.u32 $0x1, s1  }
0x8c: {  	s14 =	sshll.u32 s0, $0xA;
	s2 =	sadd.s32 s3, s2  }
0x8d: {  	s2 =	sadd.s32 s2, s14  }
0x8e: {  	[smem:$0x3FB9] =	sst s2  }
0x8f: {  	_ = 	snop  }
0x90: {  	s2 =	sld [smem:$0x3FD0];
	_ =	sdelay $0x2  }
0x91: {  	s15 =	simm.s32 $0xA;
	s4 =	simm.s32 $0x10  }
0x92: {  	[smem:s4], [sflag:s15] =	dma.local [hbm:s2], $0x1  }
0x93: {  	_ =	swait.eq [sflag:s15], $0x1  }
0x94: {  	[sflag:s15] =	ssyncset.done $0x0  }
0x95: {  	[sflag:s15] =	ssyncadd.s32 $0xFFFFFFFF  }
0x96: {  	s16 =	sld [smem:$0x10];
	(tm) =	ssettm $0x1  }
0x97: {  	s17 =	sld [smem:$0x3FFB];
	_ =	sdelay $0x3  }
0x98: {  	_ =	strace s17  }
0x99: {  	s3 =	sld [smem:$0x3FFC];
	_ =	sdelay $0x3  }
0x9a: {  	_ =	strace s3  }
0x9b: {  	s3 =	sld [smem:$0x3FFD];
	_ =	sdelay $0x3  }
0x9c: {  	_ =	strace s3  }
0x9d: {  	_ =	strace $0x8FFFFFFF  }
0x9e: {  	s18 =	sld [smem:$0x3FDB];
	_ =	sdelay $0x1  }
0x9f: {  	s19 =	simm.s32 $_scs_section_size  }
0xa0: {  	s5 =	simm.s32 $_size__tile_overlayer_lowered;
	s6 =	simm.s32 $_tile_overlayer_lowered  }
0xa1: {  	s22 =	simm.s32 $0x1BFF;
	s21 =	sshll.u32 s6, $0x1;
	s3 =	sadd.s32 s19, s18  }
0xa2: {  	s7 =	simm.s32 $0x0;
	s20 =	sshll.u32 s5, $0x1;
	s5 =	sadd.s32 s21, s3  }
0xa3: {  	[timem:s7], [sflag:s22] =	dma.local [hbm:s5], s20  }
0xa4: {  	_ =	swait.ge [sflag:s22], s20  }
0xa5: {  	s4 =	ssub.s32 $0x0, s20;
	[sflag:s22] =	ssyncset.done $0x0  }
0xa6: {  	[sflag:s22] =	ssyncadd.s32 s4;
	_ =	sdelay $0x1  }
0xa7: {  	s23 =	simm.s32 $0x1B8B  }
0xa8: {  	_ =	swait.ge [sflag:s23], $0x1  }
0xa9: {  	[sflag:s23] =	ssyncset.done $0x0  }
0xaa: {  	s25 =	simm.s32 $0x1B8E;
	s24 =	sld [smem:$0x3FFE];
	[sflag:s23] =	ssyncadd.s32 $0xFFFFFFFF  }
0xab: {  	s26 =	simm.s32 $execute0_lowered;
	[smem:$0x3FD2] =	sst s25  }
0xac: {  	s5 =	sshll.u32 s26, $0x1;
	_ =	strace $0x80000049;
	[dreg:$0x1] =	wrdreg $0xFFFFFFFF  }
0xad: {  	s28 =	simm.s32 $_size_execute0_lowered;
	s3 =	sadd.s32 s3, s5;
	[dreg:$0x0] =	wrdreg $0x0  }
0xae: {  	s5 =	sshll.u32 s28, $0x1;
	[dreg:$0x2] =	wrdreg s3  }
0xaf: {  	[dreg:$0x3] =	wrdreg s5  }
0xb0: {  	[dreg:$0x4] =	wrdreg $0xC0  }
0xb1: {  	_ =	task [dreg:s7], $0x5FFFF  }
0xb2: {  	[dreg:$0x1] =	wrdreg $0xFFFFFFFF  }
0xb3: {  	[dreg:$0x0] =	wrdreg $0x60  }
0xb4: {  	[dreg:$0x2] =	wrdreg s16  }
0xb5: {  	[dreg:$0x3] =	wrdreg s24  }
0xb6: {  	[dreg:$0x4] =	wrdreg $0x90000  }
0xb7: {  	[dreg:$0x5] =	wrdreg $0x9  }
0xb8: {  	_ =	task.clear_ibuf [dreg:s7], $0x6FFFF;
	_ =	strace $0x90000049  }
0xb9: {  	s29 =	simm.s32 $0x9;
	_ =	strace $0x8000004B  }
0xba: {  	_ =	swait.ge [sflag:s29], $0x1  }
0xbb: {  	[sflag:s29] =	ssyncadd.s32 $0xFFFFFFFF  }
0xbc: {  	_ =	strace $0x9000004B  }
0xbd: {  	_ =	sfence  }
0xbe: {  	s30 =	sld [smem:$0x0];
	_ =	sdelay $0x2  }
0xbf: {  	s31 =	sshll.u32 s1, $0xD;
	s1 =	sshrl.u32 s1, $0x2  }
0xc0: {  	s3 =	sand.u32 $0x4000, s31;
	s1 =	sadd.s32 s1, s30  }
0xc1: {  	s0 =	sor.u32 s3, s0;
	s1 =	sshll.u32 s1, $0x11  }
0xc2: {  	s0 =	sor.u32 s1, s0  }
0xc3: {  	s0 =	sadd.s32 $0x8F2B, s0  }
0xc4: {  	[sflag:s0] =	ssyncadd.remote.s32 $0x1  }
0xc5: {  	_ =	sfence.sel $0xFFFF  }
0xc6: {  	[dreg:$0x0] =	wrdreg $0xFFFFFFFF;
	(pc) =	sbr.abs _section_cstart, $3  }
0xc7: {  	[dreg:$0x1] =	wrdreg $0xFFFFFFFF  }
0xc8: {  	_ =	task.clear_ibuf [dreg:s7], $0x2FFFF;
	_ =	strace $0x9FFFFFFF  }
0xc9: {  	(tm) =	ssettm $0x7FFFFFFF  }
tec
execute0_lowered:
.L_overlay_start_1:
0x0: {  	(tag) =	ssettag $0x1  }
0x1: {  	s10 =	rddreg [dreg:$0x0]  }
0x2: {  	s4 =	rddreg [dreg:$0x1]  }
0x3: {  	s2 =	rddreg [dreg:$0x2]  }
0x4: {  	s0 =	rddreg [dreg:$0x3]  }
0x5: {  	s3 =	simm.s32 $0x0;
	s5 =	srdreg.scid;
	s1 =	stileid.u32  }
0x6: {  	s16 =	simm.s32 $0x6800;
	s17 =	simm.s32 $0x1;
	s18 =	simm.s32 $0x50  }
0x7: {  	s19 =	simm.s32 $0x3;
	s20 =	simm.s32 $0x2;
	s6 =	smul.u32 $0x14000, s1  }
0x8: {  	s8 =	sand.u32 $0x1, s5;
	s21 =	sshll.u32 s1, $0x1;
	s12 =	smul.u32 $0x50000, s1  }
0x9: {  	[smem:$0x7FF] =	sst s3;
	s29 =	smul.u32 $0x4E200, s1;
	s31 =	sshll.u32 s1, $0x6  }
0xa: {  	s5 =	sor.u32 s8, s21;
	s7 =	smul.u32 $0x140000, s8;
	_ =	strace $0x8000004A  }
0xb: {  	s22 =	ssub.s32 $0x2, s8;
	s30 =	smul.u32 $0x27100, s8;
	s21 =	simm.s32 $0x4  }
0xc: {  	s9 =	sshll.u32 s5, $0xB;
	s11 =	sshrl.u32 s6, $0x3;
	s24 =	smul.u32 $0x138800, s5  }
0xd: {  	s23 =	sshrl.u32 s22, $0x1;
	s25 =	sshrl.u32 s12, $0x2;
	s26 =	smul.u32 $0x27100, s5  }
0xe: {  	s12 =	simm.s32 $0x5;
	s9 =	sadd.s32 s9, s4;
	s11 =	sadd.s32 s11, s4  }
0xf: {  	s6 =	sadd.s32 s6, s7;
	s14 =	ssub.s32 s22, s23;
	s15 =	sadd.s32 s25, s2  }
0x10: {  	s22 =	simm.s32 $0x3D00;
	s23 =	simm.s32 $0x3D80;
	s25 =	simm.s32 $0x0  }
0x11: {  	s6 =	sshrl.u32 s6, $0x3;
	s5 =	sadd.s32 $0x13E00, s11;
	s11 =	sadd.s32 s29, s10  }
0x12: {  	s13 =	sadd.s32 s6, s4;
	s4 =	sadd.s32 $0x3E00, s9;
	s6 =	sshrl.u32 s24, $0x3  }
0x13: {  	s9 =	smax.u32 s14, $0x1;
	s11 =	sadd.s32 s30, s11;
	s14 =	sshrl.u32 s15, $0x3  }
0x14: {  	s15 =	simm.s32 $0x4000;
	s24 =	simm.s32 $0x3E00;
	s28 =	sadd.s32 s10, s6  }
0x15: {  	s6 =	sadd.s32 s10, s26;
	s8 =	sadd.s32 $0x3BE00, s13;
	s11 =	sadd.s32 $0xF00, s11  }
0x16: {  	s13 =	sor.u32 $0x1C05, s31;
	s7 =	sadd.s32 $0x500, s28;
	s10 =	sadd.s32 $0x26C00, s6  }
.LBB2_1:
0x17: {  	[tilespmem:s3], [sflag:$0x5] =	stream.linear.gather [hbm4b:s4+s3], $0x3E80, $0x38;
	[tilespmem:$0x1D000] =	vst v63  }
0x18: {  	_ =	swait.ge [sflag:s12], $0x3E80  }
0x19: {  	[sflag:s12] =	ssyncset.done $0x0  }
0x1a: {  	[sflag:s12] =	ssyncadd.s32 $0xFFFFC180  }
0x1b: {  	[spmem:s14], [sflag:s13] =	dma.local [hbm:s5], $0x2800  }
0x1c: {  	_ =	swait.ge [sflag:s12], $0x2800  }
0x1d: {  	[sflag:s12] =	ssyncset.done $0x0  }
0x1e: {  	[sflag:s12] =	ssyncadd.s32 $0xFFFFD800  }
0x1f: {  	[bflag:$0x0] =	sbarrier.arrive $0xFFFF  }
0x20: {  	[tilespmem:s15], [sflag:$0x1] =	stream.linear.gather [hbm4b:s6+s3], $0x2800, $0x38;
	[tilespmem:$0x1D000] =	vst v63  }
0x21: {  	_ = 	snop  }
0x22: {  	[tilespmem:s16], [sflag:$0x2] =	stream.linear.gather [hbm4b:s7+s3], $0x2800, $0x38;
	[tilespmem:$0x1D000] =	vst v63  }
0x23: {  	_ =	swait.ge [sflag:s17], $0x2800  }
0x24: {  	[sflag:s17] =	ssyncset.done $0x0  }
0x25: {  	s26 =	simm.s32 $0x0;
	[sflag:s17] =	ssyncadd.s32 $0xFFFFD800  }
0x26: {  	[spmem:s2] =	stream.indirect.scatter.add.f32 [tilespmem:s15], [sflag:$0x3], $0x80, s26, s18, $0xb8;
	[tilespmem:$0x1D000] =	vst v63  }
0x27: {  	_ =	swait.ge [sflag:s19], $0x2800  }
0x28: {  	[sflag:s19] =	ssyncset.done $0x0  }
0x29: {  	s30 =	sadd.s32 $0xFFFFFB00, s11;
	[sflag:s19] =	ssyncadd.s32 $0xFFFFD800  }
0x2a: {  	[tilespmem:s15], [sflag:$0x1] =	stream.linear.gather [hbm4b:s30+s3], $0x2800, $0x38;
	[tilespmem:$0x1D000] =	vst v63  }
0x2b: {  	_ =	swait.ge [sflag:s20], $0x2800  }
0x2c: {  	[sflag:s20] =	ssyncset.done $0x0  }
0x2d: {  	s31 =	simm.s32 $0x80;
	[sflag:s20] =	ssyncadd.s32 $0xFFFFD800  }
0x2e: {  	[spmem:s2] =	stream.indirect.scatter.add.f32 [tilespmem:s16], [sflag:$0x4], $0x80, s31, s18, $0xb8;
	[tilespmem:$0x1D000] =	vst v63  }
0x2f: {  	_ =	swait.ge [sflag:s21], $0x2800  }
0x30: {  	s28 =	sadd.s32 $0xA00, s11;
	[sflag:s21] =	ssyncset.done $0x0  }
0x31: {  	s29 =	smov.u32 s11;
	s26 =	simm.s32 $0x400;
	[sflag:s21] =	ssyncadd.s32 $0xFFFFD800  }
.LBB2_2:
0x32: {  	[tilespmem:s16], [sflag:$0x2] =	stream.linear.gather [hbm4b:s29+s3], $0x2800, $0x38;
	[tilespmem:$0x1D000] =	vst v63  }
0x33: {  	s30 =	smov.u32 s26;
	s29 =	smov.u32 s28  }
0x34: {  	p0 =	sne.s32 s26, $0xF000;
	s26 =	sadd.s32 $0x400, s26;
	_ =	swait.ge [sflag:s17], $0x2800  }
0x35: {  	[sflag:s17] =	ssyncset.done $0x0  }
0x36: {  	s30 =	sshra.s32 s30, $0x2;
	[sflag:s17] =	ssyncadd.s32 $0xFFFFD800  }
0x37: {  	[spmem:s2] =	stream.indirect.scatter.add.f32 [tilespmem:s15], [sflag:$0x3], $0x80, s30, s18, $0xb8;
	[tilespmem:$0x1D000] =	vst v63  }
0x38: {  	_ =	swait.ge [sflag:s19], $0x2800  }
0x39: {  	[sflag:s19] =	ssyncset.done $0x0  }
0x3a: {  	s31 =	sadd.s32 $0xFFFFFB00, s28;
	[sflag:s19] =	ssyncadd.s32 $0xFFFFD800  }
0x3b: {  	[tilespmem:s15], [sflag:$0x1] =	stream.linear.gather [hbm4b:s31+s3], $0x2800, $0x38;
	[tilespmem:$0x1D000] =	vst v63  }
0x3c: {  	_ =	swait.ge [sflag:s20], $0x2800  }
0x3d: {  	[sflag:s20] =	ssyncset.done $0x0  }
.Ltmp0:
0x3e: {  	s30 =	sadd.s32 $0x80, s30;
	[sflag:s20] =	ssyncadd.s32 $0xFFFFD800;
	(pc) =	sbr.rel @p0 .LBB2_2-.Ltmp0, $4  }
0x3f: {  	[spmem:s2] =	stream.indirect.scatter.add.f32 [tilespmem:s16], [sflag:$0x4], $0x80, s30, s18, $0xb8;
	[tilespmem:$0x1D000] =	vst v63  }
0x40: {  	_ =	swait.ge [sflag:s21], $0x2800  }
0x41: {  	[sflag:s21] =	ssyncset.done $0x0  }
0x42: {  	s28 =	sadd.s32 $0xA00, s28;
	[sflag:s21] =	ssyncadd.s32 $0xFFFFD800  }
0x43: {  	[tilespmem:s16], [sflag:$0x2] =	stream.linear.gather [hbm4b:s29+s3], $0x2800, $0x38;
	[tilespmem:$0x1D000] =	vst v63  }
0x44: {  	_ =	swait.ge [sflag:s17], $0x2800  }
0x45: {  	[sflag:s17] =	ssyncset.done $0x0  }
0x46: {  	[sflag:s17] =	ssyncadd.s32 $0xFFFFD800  }
0x47: {  	[spmem:s2] =	stream.indirect.scatter.add.f32 [tilespmem:s15], [sflag:$0x3], $0x80, s22, s18, $0xb8;
	[tilespmem:$0x1D000] =	vst v63  }
0x48: {  	_ =	swait.ge [sflag:s19], $0x2800  }
0x49: {  	[sflag:s19] =	ssyncset.done $0x0  }
0x4a: {  	[sflag:s19] =	ssyncadd.s32 $0xFFFFD800  }
0x4b: {  	[tilespmem:s15], [sflag:$0x1] =	stream.linear.gather [hbm4b:s10+s3], $0x2800, $0x38;
	[tilespmem:$0x1D000] =	vst v63  }
0x4c: {  	_ =	swait.ge [sflag:s20], $0x2800  }
0x4d: {  	[sflag:s20] =	ssyncset.done $0x0  }
0x4e: {  	[sflag:s20] =	ssyncadd.s32 $0xFFFFD800  }
0x4f: {  	[spmem:s2] =	stream.indirect.scatter.add.f32 [tilespmem:s16], [sflag:$0x4], $0x80, s23, s18, $0xb8;
	[tilespmem:$0x1D000] =	vst v63  }
0x50: {  	_ =	swait.ge [sflag:s21], $0x2800  }
0x51: {  	[sflag:s21] =	ssyncset.done $0x0  }
0x52: {  	[sflag:s21] =	ssyncadd.s32 $0xFFFFD800  }
0x53: {  	_ =	swait.ge [sflag:s17], $0x2800  }
0x54: {  	[sflag:s17] =	ssyncset.done $0x0  }
0x55: {  	[sflag:s17] =	ssyncadd.s32 $0xFFFFD800  }
0x56: {  	[spmem:s2] =	stream.indirect.scatter.add.f32 [tilespmem:s15], [sflag:$0x5], $0x80, s24, s18, $0xb8;
	[tilespmem:$0x1D000] =	vst v63  }
0x57: {  	_ =	swait.ge [sflag:s12], $0x2800  }
0x58: {  	s25 =	sadd.s32 $0x1, s25;
	[sflag:s12] =	ssyncset.done $0x0  }
0x59: {  	p0 =	sne.s32 s25, s9;
	[sflag:s12] =	ssyncadd.s32 $0xFFFFD800  }
.Ltmp1:
0x5a: {  	[bflag:$0x0] =	sbarrier.arrive $0xFFFF;
	(pc) =	sbr.rel @p0 .LBB2_1-.Ltmp1, $4  }
0x5b: {  	[hbm:s8], [sflag:s13] =	dma.local [spmem:s14], $0x2800  }
0x5c: {  	_ =	swait.ge [sflag:s12], $0x2800  }
0x5d: {  	[sflag:s12] =	ssyncset.done $0x0  }
0x5e: {  	[sflag:s12] =	ssyncadd.s32 $0xFFFFD800  }
0x5f: {  	_ =	sfence.sel $0x180000  }
0x60: {  	[bflag:$0x0] =	sbarrier.arrive $0xFFFF  }
0x61: {  	p0 =	sne.s32 s1, $0x0;
	_ =	strace $0x9000004A  }
0x62: {  	s0 =	sadd.s32 @!p0 $0x100000, s0;
	[bflag:$0x2] =	sbarrier.arrive $0xFFFF  }
0x63: {  	[sflag:s0] =	ssyncadd.tile.s32 @!p0 $0x1;
	_ =	shalt  }
.Lfunc_end2:
_tile_overlayer_lowered:
.L_overlay_start_2:
0x64: {  	(tag) =	ssettag $0x2  }
0x65: {  	s0 =	rddreg [dreg:$0x0];
	s2 =	stileid.u32  }
0x66: {  	s1 =	rddreg [dreg:$0x1];
	p0 =	sne.s32 s2, $0x0  }
0x67: {  	s3 =	rddreg [dreg:$0x2];
	[bflag:$0x3] =	sbarrier.arrive $0xFFFF;
	s2 =	simm.s32 @!p0 $0x1C05  }
0x68: {  	[timem:s3], [sflag:s2] =	dma.local @!p0 [hbm:s0], s1  }
0x69: {  	s0 =	simm.s32 @!p0 $0x5  }
0x6a: {  	_ =	swait.ge @!p0 [sflag:s0], s1  }
0x6b: {  	s1 =	ssub.s32 @!p0 $0x0, s1;
	[sflag:s0] =	ssyncset.done @!p0 $0x0  }
0x6c: {  	[sflag:s0] =	ssyncadd.s32 @!p0 s1  }
0x6d: {  	[bflag:$0x3] =	sbarrier.arrive $0xFFFF  }
0x6e: {  	_ =	shalt  }

// kernel: kernel.7.cloned.1.call-start
scs
__scs_entry_jumppad:
0x0: {  	(pc) =	sbr.rel $0x88, $3  }
0x1: {  	(tag) =	ssettag $0x0;
	lr =	simm.s32 $0x1  }
0x2: {  	[smem:$0x3F92] =	sst lr;
	_ =	strace $0xD0000000  }
0x3: {  	_ = 	snop  }
0x4: {  	_ = 	snop  }
0x5: {  	_ = 	snop  }
0x6: {  	_ = 	snop  }
0x7: {  	_ = 	snop  }
__scs_overlays_trampoline_lowered:
0x8: {  	[smem:$0x3FA1] =	sst s0  }
0x9: {  	[smem:$0x3FA2] =	sst s1  }
0xa: {  	[smem:$0x3FA3] =	sst s2  }
0xb: {  	[smem:$0x3FA4] =	sst s3  }
0xc: {  	[smem:$0x3FA5] =	sst s4  }
0xd: {  	[smem:$0x3FA6] =	sst s5  }
0xe: {  	[smem:$0x3FA7] =	sst s6  }
0xf: {  	[smem:$0x3FA8] =	sst s7  }
0x10: {  	[smem:$0x3FA9] =	sst s8  }
0x11: {  	[smem:$0x3FAA] =	sst s9;
	s0 =	simm.s32 @!p0 $0x0  }
0x12: {  	s1 =	sld [smem:$0x3F90];
	s0 =	simm.s32 @p0 $0x1  }
0x13: {  	[smem:$0x3FAB] =	sst s0;
	s0 =	simm.s32 @!p1 $0x0  }
0x14: {  	s2 =	sld [smem:$0x3F8F];
	s0 =	simm.s32 @p1 $0x1  }
0x15: {  	[smem:$0x3FAC] =	sst s0;
	s0 =	simm.s32 @!p2 $0x0  }
0x16: {  	s3 =	sld [smem:$0x3FDB];
	s0 =	simm.s32 @p2 $0x1  }
0x17: {  	s4 =	simm.s32 $0x1BF5;
	[smem:$0x3FAE] =	sst s0  }
0x18: {  	s0 =	sld [smem:$0x3F91];
	_ =	swait.ge [sflag:s4], $0x0  }
0x19: {  	s7 =	sld [smem:$0x3F92]  }
0x1a: {  	s8 =	sadd.s32 $0xFFFFE003, lr  }
0x1b: {  	s9 =	sadd.s32 $0xFFFFFEF7, lr;
	s5 =	simm.s32 $0xFFFFFFFF;
	p2 =	slt.u32 s8, $0xFFFFF086  }
0x1c: {  	p1 =	slt.u32 s9, $0xF7A;
	s5 =	simm.s32 @!p2 $0x0  }
0x1d: {  	s5 =	simm.s32 @p1 $0x1;
	p0 =	seq.s32 s7, s2  }
0x1e: {  	s7 =	smul.u32 @!p0 $0xF7A, s2;
	p2 =	seq.s32 @!p0 s5, $0x0  }
0x1f: {  	s9 =	smul.u32 $0xF7A, s1;
	s8 =	simm.s32 @!p0 $0x1BF5;
	p2 =	por !p2, p0  }
0x20: {  	[sflag:s8] =	ssyncset.s32 @!p0 $0xFFFFF086;
	s6 =	sadd.s32 @!p0 s3, s7;
	s7 =	simm.s32 @!p0 $0x108  }
0x21: {  	s3 =	sadd.s32 s3, s9;
	s6 =	sadd.s32 @!p0 $0x88, s6;
	s7 =	simm.s32 @p2 $0x1082  }
0x22: {  	[simem:s7], [sflag:s8] =	dma.local @!p0 [hbm:s6], $0xF7A  }
0x23: {  	s9 =	sor.u32 $0xD0000000, s2;
	s6 =	simm.s32 $0x108;
	_ =	swait.ge @!p0 [sflag:s8], $0x0  }
0x24: {  	s3 =	sadd.s32 $0x88, s3;
	s6 =	simm.s32 @!p1 $0x1082;
	[sflag:s4] =	ssyncset.s32 $0xFFFFF086  }
0x25: {  	[simem:s6], [sflag:s4] =	dma.local [hbm:s3], $0xF7A  }
0x26: {  	[smem:$0x3F92] =	sst s1;
	(tag) =	ssettag s2;
	_ =	strace s9  }
0x27: {  	s1 =	sld [smem:$0x3FA2]  }
0x28: {  	s2 =	sld [smem:$0x3FA3]  }
0x29: {  	s4 =	sld [smem:$0x3FA5]  }
0x2a: {  	p0 =	seq.s32 s5, $0x0;
	s5 =	sld [smem:$0x3FA6]  }
0x2b: {  	s6 =	sld [smem:$0x3FA7]  }
0x2c: {  	s7 =	sld [smem:$0x3FA8]  }
0x2d: {  	s3 =	simm.s32 $0x108;
	s8 =	sld [smem:$0x3FA9]  }
0x2e: {  	s3 =	simm.s32 @!p0 $0x1082;
	s9 =	sld [smem:$0x3FAA]  }
0x2f: {  	lr =	sadd.s32 s0, s3;
	s0 =	sld [smem:$0x3FA1]  }
0x30: {  	s3 =	sld [smem:$0x3FA4]  }
0x31: {  	[smem:$0x3FAD] =	sst s10  }
0x32: {  	s10 =	sld [smem:$0x3FAB];
	_ =	sdelay $0x3  }
0x33: {  	p0 =	seq.s32 s10, $0x1;
	s10 =	sld [smem:$0x3FAD];
	_ =	sdelay $0x3  }
0x34: {  	[smem:$0x3FAD] =	sst s10  }
0x35: {  	s10 =	sld [smem:$0x3FAC];
	_ =	sdelay $0x3  }
0x36: {  	p1 =	seq.s32 s10, $0x1;
	s10 =	sld [smem:$0x3FAD];
	_ =	sdelay $0x3  }
0x37: {  	[smem:$0x3FAD] =	sst s10  }
0x38: {  	s10 =	sld [smem:$0x3FAE]  }
0x39: {  	_ = 	snop;
	(pc) =	sbr.ind lr, $3  }
0x3a: {  	_ = 	snop  }
0x3b: {  	_ = 	snop  }
0x3c: {  	p2 =	seq.s32 s10, $0x1;
	s10 =	sld [smem:$0x3FAD]  }
0x3d: {  	_ =	shalt  }
0x3e: {  	_ =	shalt  }
0x3f: {  	_ =	shalt  }
0x40: {  	_ =	shalt  }
0x41: {  	_ =	shalt  }
0x42: {  	_ =	shalt  }
0x43: {  	_ =	shalt  }
0x44: {  	_ =	shalt  }
0x45: {  	_ =	shalt  }
0x46: {  	_ =	shalt  }
0x47: {  	_ =	shalt  }
0x48: {  	_ =	shalt  }
0x49: {  	_ =	shalt  }
0x4a: {  	_ =	shalt  }
0x4b: {  	_ =	shalt  }
0x4c: {  	_ =	shalt  }
0x4d: {  	_ =	shalt  }
0x4e: {  	_ =	shalt  }
0x4f: {  	_ =	shalt  }
0x50: {  	_ =	shalt  }
0x51: {  	_ =	shalt  }
0x52: {  	_ =	shalt  }
0x53: {  	_ =	shalt  }
0x54: {  	_ =	shalt  }
0x55: {  	_ =	shalt  }
0x56: {  	_ =	shalt  }
0x57: {  	_ =	shalt  }
0x58: {  	_ =	shalt  }
0x59: {  	_ =	shalt  }
0x5a: {  	_ =	shalt  }
0x5b: {  	_ =	shalt  }
0x5c: {  	_ =	shalt  }
0x5d: {  	_ =	shalt  }
0x5e: {  	_ =	shalt  }
0x5f: {  	_ =	shalt  }
0x60: {  	_ =	shalt  }
0x61: {  	_ =	shalt  }
0x62: {  	_ =	shalt  }
0x63: {  	_ =	shalt  }
0x64: {  	_ =	shalt  }
0x65: {  	_ =	shalt  }
0x66: {  	_ =	shalt  }
0x67: {  	_ =	shalt  }
0x68: {  	_ =	shalt  }
0x69: {  	_ =	shalt  }
0x6a: {  	_ =	shalt  }
0x6b: {  	_ =	shalt  }
0x6c: {  	_ =	shalt  }
0x6d: {  	_ =	shalt  }
0x6e: {  	_ =	shalt  }
0x6f: {  	_ =	shalt  }
0x70: {  	_ =	shalt  }
0x71: {  	_ =	shalt  }
0x72: {  	_ =	shalt  }
0x73: {  	_ =	shalt  }
0x74: {  	_ =	shalt  }
0x75: {  	_ =	shalt  }
0x76: {  	_ =	shalt  }
0x77: {  	_ =	shalt  }
0x78: {  	_ =	shalt  }
0x79: {  	_ =	shalt  }
0x7a: {  	_ =	shalt  }
0x7b: {  	_ =	shalt  }
0x7c: {  	_ =	shalt  }
0x7d: {  	_ =	shalt  }
0x7e: {  	_ =	shalt  }
0x7f: {  	_ =	shalt  }
0x80: {  	_ =	shalt  }
0x81: {  	_ =	shalt  }
0x82: {  	_ =	shalt  }
0x83: {  	_ =	shalt  }
0x84: {  	_ =	shalt  }
0x85: {  	_ =	shalt  }
0x86: {  	_ =	shalt  }
0x87: {  	_ =	shalt  }
.Lfunc_end0:
.L_simem_size_0:
called_computation_lowered:
.L_overlay_start_0:
0x88: {  	s2 =	sld [smem:$0x3FD9]  }
0x89: {  	s3 =	sld [smem:$0x3FFE];
	_ =	sdelay $0x1  }
0x8a: {  	s1 =	srdreg.scid  }
0x8b: {  	s0 =	sand.u32 $0x1, s1  }
0x8c: {  	s14 =	sshll.u32 s0, $0xA;
	s2 =	sadd.s32 s3, s2  }
0x8d: {  	s2 =	sadd.s32 s2, s14  }
0x8e: {  	[smem:$0x3FB9] =	sst s2  }
0x8f: {  	_ = 	snop  }
0x90: {  	s2 =	sld [smem:$0x3FD0];
	_ =	sdelay $0x2  }
0x91: {  	s15 =	simm.s32 $0xA;
	s4 =	simm.s32 $0x10  }
0x92: {  	[smem:s4], [sflag:s15] =	dma.local [hbm:s2], $0x1  }
0x93: {  	_ =	swait.eq [sflag:s15], $0x1  }
0x94: {  	[sflag:s15] =	ssyncset.done $0x0  }
0x95: {  	s16 =	sld [smem:$0x10];
	[sflag:s15] =	ssyncadd.s32 $0xFFFFFFFF  }
0x96: {  	s17 =	sld [smem:$0x11];
	(tm) =	ssettm $0x1  }
0x97: {  	s18 =	sld [smem:$0x3FFB];
	_ =	sdelay $0x3  }
0x98: {  	_ =	strace s18  }
0x99: {  	s4 =	sld [smem:$0x3FFC];
	_ =	sdelay $0x3  }
0x9a: {  	_ =	strace s4  }
0x9b: {  	s4 =	sld [smem:$0x3FFD];
	_ =	sdelay $0x3  }
0x9c: {  	_ =	strace s4  }
0x9d: {  	_ =	strace $0x8FFFFFFF  }
0x9e: {  	s19 =	sld [smem:$0x3FDB];
	_ =	sdelay $0x1  }
0x9f: {  	s5 =	simm.s32 $_scs_section_size  }
0xa0: {  	s6 =	simm.s32 $_size__tile_overlayer_lowered;
	s7 =	simm.s32 $_tile_overlayer_lowered  }
0xa1: {  	s22 =	simm.s32 $0x1BFF;
	s21 =	sshll.u32 s7, $0x1;
	s4 =	sadd.s32 s5, s19  }
0xa2: {  	s8 =	simm.s32 $0x0;
	s20 =	sshll.u32 s6, $0x1;
	s6 =	sadd.s32 s21, s4  }
0xa3: {  	[timem:s8], [sflag:s22] =	dma.local [hbm:s6], s20  }
0xa4: {  	_ =	swait.ge [sflag:s22], s20  }
0xa5: {  	s5 =	ssub.s32 $0x0, s20;
	[sflag:s22] =	ssyncset.done $0x0  }
0xa6: {  	[sflag:s22] =	ssyncadd.s32 s5;
	_ =	sdelay $0x1  }
0xa7: {  	s23 =	simm.s32 $0x1B8B  }
0xa8: {  	_ =	swait.ge [sflag:s23], $0x1  }
0xa9: {  	[sflag:s23] =	ssyncset.done $0x0  }
0xaa: {  	s25 =	simm.s32 $0x1B8E;
	s24 =	sld [smem:$0x3FFE];
	[sflag:s23] =	ssyncadd.s32 $0xFFFFFFFF  }
0xab: {  	s26 =	simm.s32 $execute0_lowered;
	[smem:$0x3FD2] =	sst s25  }
0xac: {  	s6 =	sshll.u32 s26, $0x1;
	_ =	strace $0x80000046;
	[dreg:$0x1] =	wrdreg $0xFFFFFFFF  }
0xad: {  	s28 =	simm.s32 $_size_execute0_lowered;
	s4 =	sadd.s32 s4, s6;
	[dreg:$0x0] =	wrdreg $0x0  }
0xae: {  	s6 =	sshll.u32 s28, $0x1;
	[dreg:$0x2] =	wrdreg s4  }
0xaf: {  	[dreg:$0x3] =	wrdreg s6  }
0xb0: {  	[dreg:$0x4] =	wrdreg $0xC0  }
0xb1: {  	_ =	task [dreg:s8], $0x5FFFF  }
0xb2: {  	[dreg:$0x1] =	wrdreg $0xFFFFFFFF  }
0xb3: {  	[dreg:$0x0] =	wrdreg $0x60  }
0xb4: {  	[dreg:$0x2] =	wrdreg s17  }
0xb5: {  	[dreg:$0x3] =	wrdreg s16  }
0xb6: {  	[dreg:$0x4] =	wrdreg s24  }
0xb7: {  	[dreg:$0x5] =	wrdreg $0x9  }
0xb8: {  	_ =	task.clear_ibuf [dreg:s8], $0x6FFFF;
	_ =	strace $0x90000046  }
0xb9: {  	s29 =	simm.s32 $0x9;
	_ =	strace $0x80000048  }
0xba: {  	_ =	swait.ge [sflag:s29], $0x1  }
0xbb: {  	[sflag:s29] =	ssyncadd.s32 $0xFFFFFFFF  }
0xbc: {  	_ =	strace $0x90000048  }
0xbd: {  	_ =	sfence  }
0xbe: {  	s30 =	sld [smem:$0x0];
	_ =	sdelay $0x2  }
0xbf: {  	s31 =	sshll.u32 s1, $0xD;
	s1 =	sshrl.u32 s1, $0x2  }
0xc0: {  	s3 =	sand.u32 $0x4000, s31;
	s1 =	sadd.s32 s1, s30  }
0xc1: {  	s0 =	sor.u32 s3, s0;
	s1 =	sshll.u32 s1, $0x11  }
0xc2: {  	s0 =	sor.u32 s1, s0  }
0xc3: {  	s0 =	sadd.s32 $0x8F2B, s0  }
0xc4: {  	[sflag:s0] =	ssyncadd.remote.s32 $0x1  }
0xc5: {  	_ =	sfence.sel $0xFFFF  }
0xc6: {  	[dreg:$0x0] =	wrdreg $0xFFFFFFFF;
	(pc) =	sbr.abs _section_cstart, $3  }
0xc7: {  	[dreg:$0x1] =	wrdreg $0xFFFFFFFF  }
0xc8: {  	_ =	task.clear_ibuf [dreg:s8], $0x2FFFF;
	_ =	strace $0x9FFFFFFF  }
0xc9: {  	(tm) =	ssettm $0x7FFFFFFF  }
tec
execute0_lowered:
.L_overlay_start_1:
0x0: {  	(tag) =	ssettag $0x1  }
0x1: {  	s1 =	rddreg [dreg:$0x0]  }
0x2: {  	s2 =	rddreg [dreg:$0x1]  }
0x3: {  	s0 =	rddreg [dreg:$0x2];
	s4 =	simm.s32 $0x0;
	s3 =	srdreg.scid  }
0x4: {  	s10 =	stileid.u32;
	s16 =	simm.s32 $0x9;
	s17 =	simm.s32 $0x4000  }
0x5: {  	s18 =	simm.s32 $0x50;
	s19 =	simm.s32 $0x8000;
	s20 =	simm.s32 $0xD000  }
0x6: {  	s28 =	simm.s32 $0x5;
	s29 =	simm.s32 $0x7;
	s30 =	simm.s32 $0x2  }
0x7: {  	s31 =	simm.s32 $0x4;
	[smem:$0x7FF] =	sst s4;
	s3 =	sand.u32 $0x1, s3  }
0x8: {  	s5 =	sshll.u32 s10, $0x1;
	s25 =	smul.u32 $0x4E200, s10;
	_ =	strace $0x80000047  }
0x9: {  	s5 =	sor.u32 s3, s5;
	s7 =	ssub.s32 $0x2, s3;
	s3 =	smul.u32 $0x27100, s3  }
0xa: {  	s13 =	sadd.s32 $0x23E00, s0;
	s6 =	sshll.u32 s5, $0xB;
	s8 =	smul.u32 $0x138800, s5  }
0xb: {  	s9 =	sshrl.u32 s7, $0x1;
	s5 =	smul.u32 $0x27100, s5;
	s26 =	sadd.s32 s25, s13  }
0xc: {  	s6 =	sadd.s32 s6, s0;
	s0 =	sadd.s32 $0x505E00, s0;
	s7 =	ssub.s32 s7, s9  }
0xd: {  	s14 =	sadd.s32 s3, s26;
	s26 =	simm.s32 $0x3;
	s8 =	sshrl.u32 s8, $0x3  }
0xe: {  	s21 =	sadd.s32 $0x13E00, s6;
	s6 =	sadd.s32 $0x3E00, s6;
	s9 =	smax.u32 s7, $0x1  }
0xf: {  	s24 =	sadd.s32 $0x26200, s5;
	s5 =	sadd.s32 $0x26700, s5;
	[dreg:$0x4] =	wrdreg s21  }
0x10: {  	s8 =	sadd.s32 $0x26C00, s8;
	[dreg:$0x5] =	wrdreg s6;
	s10 =	sadd.s32 s13, s24  }
0x11: {  	s11 =	sadd.s32 s0, s24;
	s12 =	sadd.s32 s13, s5;
	s24 =	simm.s32 $0xF800  }
0x12: {  	s21 =	simm.s32 $0x0;
	s22 =	sadd.s32 s13, s8;
	s23 =	sadd.s32 s0, s8  }
0x13: {  	s13 =	sadd.s32 s0, s5;
	s0 =	sadd.s32 s25, s0;
	[dreg:$0x6] =	wrdreg s22  }
0x14: {  	s25 =	simm.s32 $0x1;
	[dreg:$0x7] =	wrdreg s23;
	s15 =	sadd.s32 s3, s0  }
0x15: {  	s22 =	simm.s32 $0xA800;
	s0 =	simm.s32 $0x6;
	s3 =	simm.s32 $0x8  }
.LBB2_1:
0x16: {  	s5 =	rddreg [dreg:$0x4]  }
0x17: {  	[tilespmem:s4], [sflag:$0x9] =	stream.linear.gather [hbm4b:s5+s4], $0x3E80, $0x38;
	[tilespmem:$0x12000] =	vst v63  }
0x18: {  	_ =	swait.ge [sflag:s16], $0x3E80  }
0x19: {  	[sflag:s16] =	ssyncset.done $0x0  }
0x1a: {  	s23 =	rddreg [dreg:$0x5];
	[sflag:s16] =	ssyncadd.s32 $0xFFFFC180  }
0x1b: {  	[tilespmem:s17], [sflag:$0x9] =	stream.linear.gather [hbm4b:s23+s4], $0x3E80, $0x38;
	[tilespmem:$0x12000] =	vst v63  }
0x1c: {  	_ =	swait.ge [sflag:s16], $0x3E80  }
0x1d: {  	[sflag:s16] =	ssyncset.done $0x0  }
0x1e: {  	[sflag:s16] =	ssyncadd.s32 $0xFFFFC180  }
0x1f: {  	[tilespmem:s19], [sflag:$0x1] =	stream.indirect.gather [hbm4b:s1+s18], $0x80, s4, s18, $0xb8;
	[tilespmem:$0x12000] =	vst v63  }
0x20: {  	_ = 	snop  }
0x21: {  	[tilespmem:s20], [sflag:$0x3] =	stream.indirect.gather [hbm4b:s2+s18], $0x80, s17, s18, $0xb8;
	[tilespmem:$0x12000] =	vst v63  }
0x22: {  	s6 =	simm.s32 $0x80  }
0x23: {  	[tilespmem:s22], [sflag:$0x2] =	stream.indirect.gather [hbm4b:s1+s18], $0x80, s6, s18, $0xb8;
	[tilespmem:$0x12000] =	vst v63  }
0x24: {  	s7 =	simm.s32 $0x4080  }
0x25: {  	[tilespmem:s24], [sflag:$0x4] =	stream.indirect.gather [hbm4b:s2+s18], $0x80, s7, s18, $0xb8;
	[tilespmem:$0x12000] =	vst v63  }
0x26: {  	_ =	swait.ge [sflag:s25], $0x2800  }
0x27: {  	[sflag:s25] =	ssyncset.done $0x0  }
0x28: {  	s8 =	sadd.s32 $0x0, s14;
	[sflag:s25] =	ssyncadd.s32 $0xFFFFD800  }
0x29: {  	[hbm4b:s8+s4] =	stream.linear.scatter [tilespmem:s19], [sflag:$0x5], $0x2800, $0x38;
	[tilespmem:$0x12000] =	vst v63  }
0x2a: {  	_ =	swait.ge [sflag:s26], $0x2800  }
0x2b: {  	[sflag:s26] =	ssyncset.done $0x0  }
0x2c: {  	s6 =	sadd.s32 $0x0, s15;
	[sflag:s26] =	ssyncadd.s32 $0xFFFFD800  }
0x2d: {  	[hbm4b:s6+s4] =	stream.linear.scatter [tilespmem:s20], [sflag:$0x7], $0x2800, $0x38;
	[tilespmem:$0x12000] =	vst v63  }
0x2e: {  	_ =	swait.ge [sflag:s28], $0x2800  }
0x2f: {  	[sflag:s28] =	ssyncset.done $0x0  }
0x30: {  	s7 =	simm.s32 $0x100;
	[sflag:s28] =	ssyncadd.s32 $0xFFFFD800  }
0x31: {  	[tilespmem:s19], [sflag:$0x1] =	stream.indirect.gather [hbm4b:s1+s18], $0x80, s7, s18, $0xb8;
	[tilespmem:$0x12000] =	vst v63  }
0x32: {  	_ =	swait.ge [sflag:s29], $0x2800  }
0x33: {  	[sflag:s29] =	ssyncset.done $0x0  }
0x34: {  	s23 =	simm.s32 $0x4100;
	[sflag:s29] =	ssyncadd.s32 $0xFFFFD800  }
0x35: {  	[tilespmem:s20], [sflag:$0x3] =	stream.indirect.gather [hbm4b:s2+s18], $0x80, s23, s18, $0xb8;
	[tilespmem:$0x12000] =	vst v63  }
0x36: {  	_ =	swait.ge [sflag:s30], $0x2800  }
0x37: {  	[sflag:s30] =	ssyncset.done $0x0  }
0x38: {  	s5 =	sadd.s32 $0x500, s8;
	[sflag:s30] =	ssyncadd.s32 $0xFFFFD800  }
0x39: {  	[hbm4b:s5+s4] =	stream.linear.scatter [tilespmem:s22], [sflag:$0x6], $0x2800, $0x38;
	[tilespmem:$0x12000] =	vst v63  }
0x3a: {  	_ =	swait.ge [sflag:s31], $0x2800  }
0x3b: {  	[sflag:s31] =	ssyncset.done $0x0  }
0x3c: {  	s8 =	sadd.s32 $0x500, s6;
	[sflag:s31] =	ssyncadd.s32 $0xFFFFD800  }
0x3d: {  	[hbm4b:s8+s4] =	stream.linear.scatter [tilespmem:s24], [sflag:$0x8], $0x2800, $0x38;
	[tilespmem:$0x12000] =	vst v63  }
0x3e: {  	_ =	swait.ge [sflag:s0], $0x2800  }
0x3f: {  	[sflag:s0] =	ssyncset.done $0x0  }
0x40: {  	s23 =	simm.s32 $0x180;
	[sflag:s0] =	ssyncadd.s32 $0xFFFFD800  }
0x41: {  	[tilespmem:s22], [sflag:$0x2] =	stream.indirect.gather [hbm4b:s1+s18], $0x80, s23, s18, $0xb8;
	[tilespmem:$0x12000] =	vst v63  }
0x42: {  	_ =	swait.ge [sflag:s3], $0x2800  }
0x43: {  	s6 =	simm.s32 $0x4200;
	s7 =	simm.s32 $0x4180;
	[sflag:s3] =	ssyncset.done $0x0  }
0x44: {  	s5 =	simm.s32 $0x200;
	s23 =	simm.s32 $0xA00;
	[sflag:s3] =	ssyncadd.s32 $0xFFFFD800  }
.LBB2_2:
0x45: {  	[tilespmem:s24], [sflag:$0x4] =	stream.indirect.gather [hbm4b:s2+s18], $0x80, s7, s18, $0xb8;
	[tilespmem:$0x12000] =	vst v63  }
0x46: {  	s7 =	smov.u32 s23  }
0x47: {  	p0 =	sne.s32 s23, $0x25800;
	s23 =	sadd.s32 $0xA00, s23;
	_ =	swait.ge [sflag:s25], $0x2800  }
0x48: {  	[sflag:s25] =	ssyncset.done $0x0  }
0x49: {  	s8 =	sadd.s32 s7, s14;
	[sflag:s25] =	ssyncadd.s32 $0xFFFFD800  }
0x4a: {  	[hbm4b:s8+s4] =	stream.linear.scatter [tilespmem:s19], [sflag:$0x5], $0x2800, $0x38;
	[tilespmem:$0x12000] =	vst v63  }
0x4b: {  	_ =	swait.ge [sflag:s26], $0x2800  }
0x4c: {  	[sflag:s26] =	ssyncset.done $0x0  }
0x4d: {  	s7 =	sadd.s32 s7, s15;
	[sflag:s26] =	ssyncadd.s32 $0xFFFFD800  }
0x4e: {  	[hbm4b:s7+s4] =	stream.linear.scatter [tilespmem:s20], [sflag:$0x7], $0x2800, $0x38;
	[tilespmem:$0x12000] =	vst v63  }
0x4f: {  	_ =	swait.ge [sflag:s28], $0x2800  }
0x50: {  	[sflag:s28] =	ssyncset.done $0x0  }
0x51: {  	[sflag:s28] =	ssyncadd.s32 $0xFFFFD800  }
0x52: {  	[tilespmem:s19], [sflag:$0x1] =	stream.indirect.gather [hbm4b:s1+s18], $0x80, s5, s18, $0xb8;
	[tilespmem:$0x12000] =	vst v63  }
0x53: {  	_ =	swait.ge [sflag:s29], $0x2800  }
0x54: {  	[sflag:s29] =	ssyncset.done $0x0  }
0x55: {  	[sflag:s29] =	ssyncadd.s32 $0xFFFFD800  }
0x56: {  	[tilespmem:s20], [sflag:$0x3] =	stream.indirect.gather [hbm4b:s2+s18], $0x80, s6, s18, $0xb8;
	[tilespmem:$0x12000] =	vst v63  }
0x57: {  	_ =	swait.ge [sflag:s30], $0x2800  }
0x58: {  	[sflag:s30] =	ssyncset.done $0x0  }
0x59: {  	s8 =	sadd.s32 $0x500, s8;
	[sflag:s30] =	ssyncadd.s32 $0xFFFFD800  }
0x5a: {  	[hbm4b:s8+s4] =	stream.linear.scatter [tilespmem:s22], [sflag:$0x6], $0x2800, $0x38;
	[tilespmem:$0x12000] =	vst v63  }
0x5b: {  	_ =	swait.ge [sflag:s31], $0x2800  }
0x5c: {  	[sflag:s31] =	ssyncset.done $0x0  }
0x5d: {  	s7 =	sadd.s32 $0x500, s7;
	[sflag:s31] =	ssyncadd.s32 $0xFFFFD800  }
0x5e: {  	[hbm4b:s7+s4] =	stream.linear.scatter [tilespmem:s24], [sflag:$0x8], $0x2800, $0x38;
	[tilespmem:$0x12000] =	vst v63  }
0x5f: {  	_ =	swait.ge [sflag:s0], $0x2800  }
0x60: {  	[sflag:s0] =	ssyncset.done $0x0  }
.Ltmp0:
0x61: {  	s7 =	sadd.s32 $0x80, s5;
	[sflag:s0] =	ssyncadd.s32 $0xFFFFD800;
	(pc) =	sbr.rel @p0 .LBB2_2-.Ltmp0, $4  }
0x62: {  	[tilespmem:s22], [sflag:$0x2] =	stream.indirect.gather [hbm4b:s1+s18], $0x80, s7, s18, $0xb8;
	[tilespmem:$0x12000] =	vst v63  }
0x63: {  	_ =	swait.ge [sflag:s3], $0x2800  }
0x64: {  	s5 =	sadd.s32 $0x100, s5;
	[sflag:s3] =	ssyncset.done $0x0  }
0x65: {  	s7 =	sadd.s32 $0x80, s6;
	s6 =	sadd.s32 $0x100, s6;
	[sflag:s3] =	ssyncadd.s32 $0xFFFFD800  }
0x66: {  	[tilespmem:s24], [sflag:$0x4] =	stream.indirect.gather [hbm4b:s2+s18], $0x80, s7, s18, $0xb8;
	[tilespmem:$0x12000] =	vst v63  }
0x67: {  	_ =	swait.ge [sflag:s25], $0x2800  }
0x68: {  	[sflag:s25] =	ssyncset.done $0x0  }
0x69: {  	[sflag:s25] =	ssyncadd.s32 $0xFFFFD800  }
0x6a: {  	[hbm4b:s10+s4] =	stream.linear.scatter [tilespmem:s19], [sflag:$0x5], $0x2800, $0x38;
	[tilespmem:$0x12000] =	vst v63  }
0x6b: {  	_ =	swait.ge [sflag:s26], $0x2800  }
0x6c: {  	[sflag:s26] =	ssyncset.done $0x0  }
0x6d: {  	[sflag:s26] =	ssyncadd.s32 $0xFFFFD800  }
0x6e: {  	[hbm4b:s11+s4] =	stream.linear.scatter [tilespmem:s20], [sflag:$0x7], $0x2800, $0x38;
	[tilespmem:$0x12000] =	vst v63  }
0x6f: {  	_ =	swait.ge [sflag:s28], $0x2800  }
0x70: {  	[sflag:s28] =	ssyncset.done $0x0  }
0x71: {  	s5 =	simm.s32 $0x3E00;
	[sflag:s28] =	ssyncadd.s32 $0xFFFFD800  }
0x72: {  	[tilespmem:s19], [sflag:$0x1] =	stream.indirect.gather [hbm4b:s1+s18], $0x80, s5, s18, $0xb8;
	[tilespmem:$0x12000] =	vst v63  }
0x73: {  	_ =	swait.ge [sflag:s29], $0x2800  }
0x74: {  	[sflag:s29] =	ssyncset.done $0x0  }
0x75: {  	s7 =	simm.s32 $0x7E00;
	[sflag:s29] =	ssyncadd.s32 $0xFFFFD800  }
0x76: {  	[tilespmem:s20], [sflag:$0x3] =	stream.indirect.gather [hbm4b:s2+s18], $0x80, s7, s18, $0xb8;
	[tilespmem:$0x12000] =	vst v63  }
0x77: {  	_ =	swait.ge [sflag:s30], $0x2800  }
0x78: {  	[sflag:s30] =	ssyncset.done $0x0  }
0x79: {  	[sflag:s30] =	ssyncadd.s32 $0xFFFFD800  }
0x7a: {  	[hbm4b:s12+s4] =	stream.linear.scatter [tilespmem:s22], [sflag:$0x6], $0x2800, $0x38;
	[tilespmem:$0x12000] =	vst v63  }
0x7b: {  	_ =	swait.ge [sflag:s31], $0x2800  }
0x7c: {  	[sflag:s31] =	ssyncset.done $0x0  }
0x7d: {  	[sflag:s31] =	ssyncadd.s32 $0xFFFFD800  }
0x7e: {  	[hbm4b:s13+s4] =	stream.linear.scatter [tilespmem:s24], [sflag:$0x8], $0x2800, $0x38;
	[tilespmem:$0x12000] =	vst v63  }
0x7f: {  	_ =	swait.ge [sflag:s0], $0x2800  }
0x80: {  	[sflag:s0] =	ssyncset.done $0x0  }
0x81: {  	[sflag:s0] =	ssyncadd.s32 $0xFFFFD800  }
0x82: {  	_ =	swait.ge [sflag:s3], $0x2800  }
0x83: {  	[sflag:s3] =	ssyncset.done $0x0  }
0x84: {  	[sflag:s3] =	ssyncadd.s32 $0xFFFFD800  }
0x85: {  	_ =	swait.ge [sflag:s25], $0x2800  }
0x86: {  	[sflag:s25] =	ssyncset.done $0x0  }
0x87: {  	s8 =	rddreg [dreg:$0x6];
	[sflag:s25] =	ssyncadd.s32 $0xFFFFD800  }
0x88: {  	[hbm4b:s8+s4] =	stream.linear.scatter [tilespmem:s19], [sflag:$0x9], $0x2800, $0x38;
	[tilespmem:$0x12000] =	vst v63  }
0x89: {  	_ =	swait.ge [sflag:s16], $0x2800  }
0x8a: {  	[sflag:s16] =	ssyncset.done $0x0  }
0x8b: {  	[sflag:s16] =	ssyncadd.s32 $0xFFFFD800  }
0x8c: {  	s21 =	sadd.s32 $0x1, s21;
	_ =	swait.ge [sflag:s26], $0x2800  }
0x8d: {  	p0 =	sne.s32 s21, s9;
	[sflag:s26] =	ssyncset.done $0x0  }
.Ltmp1:
0x8e: {  	s23 =	rddreg [dreg:$0x7];
	[sflag:s26] =	ssyncadd.s32 $0xFFFFD800;
	(pc) =	sbr.rel @p0 .LBB2_1-.Ltmp1, $4  }
0x8f: {  	[hbm4b:s23+s4] =	stream.linear.scatter [tilespmem:s20], [sflag:$0x9], $0x2800, $0x38;
	[tilespmem:$0x12000] =	vst v63  }
0x90: {  	_ =	swait.ge [sflag:s16], $0x2800  }
0x91: {  	[sflag:s16] =	ssyncset.done $0x0  }
0x92: {  	[sflag:s16] =	ssyncadd.s32 $0xFFFFD800  }
0x93: {  	_ =	sfence.sel $0x180000  }
0x94: {  	[bflag:$0x0] =	sbarrier.arrive $0xFFFF  }
0x95: {  	_ =	strace $0x90000047  }
0x96: {  	s0 =	stileid.u32;
	[bflag:$0x2] =	sbarrier.arrive $0xFFFF  }
0x97: {  	p0 =	sne.s32 s0, $0x0;
	s0 =	rddreg [dreg:$0x3]  }
0x98: {  	s0 =	sadd.s32 @!p0 $0x100000, s0  }
0x99: {  	[sflag:s0] =	ssyncadd.tile.s32 @!p0 $0x1;
	_ =	shalt  }
.Lfunc_end2:
_tile_overlayer_lowered:
.L_overlay_start_2:
0x9a: {  	(tag) =	ssettag $0x2  }
0x9b: {  	s0 =	rddreg [dreg:$0x0];
	s2 =	stileid.u32  }
0x9c: {  	s1 =	rddreg [dreg:$0x1];
	p0 =	sne.s32 s2, $0x0  }
0x9d: {  	s3 =	rddreg [dreg:$0x2];
	[bflag:$0x3] =	sbarrier.arrive $0xFFFF;
	s2 =	simm.s32 @!p0 $0x1C09  }
0x9e: {  	[timem:s3], [sflag:s2] =	dma.local @!p0 [hbm:s0], s1  }
0x9f: {  	s0 =	simm.s32 @!p0 $0x9  }
0xa0: {  	_ =	swait.ge @!p0 [sflag:s0], s1  }
0xa1: {  	s1 =	ssub.s32 @!p0 $0x0, s1;
	[sflag:s0] =	ssyncset.done @!p0 $0x0  }
0xa2: {  	[sflag:s0] =	ssyncadd.s32 @!p0 s1  }
0xa3: {  	[bflag:$0x3] =	sbarrier.arrive $0xFFFF  }
0xa4: {  	_ =	shalt  }

</sc_bundles>
